<compile_context>
chip_gen: v7x
topology: tpu7x:2x2x1
jax: 0.10.2.dev20260603
libtpu: 0.0.44.dev20260713+nightly
codegen_flags: <defaults>
</compile_context>

<pallas_src>
import functools

import jax
import jax.numpy as jnp
from jax import lax
from jax.experimental import pallas as pl
from jax.experimental.pallas import tpu as pltpu
from jax.experimental.pallas import tpu_sc as plsc

D = 64
DP = 128
L = 16
NC, NS = 2, 16
NW = NC * NS
SCALE = 8.0
NBUF = 4

B = 4096 * 200
BPW = B // NW
CHUNK = 160
NSTEP = BPW // CHUNK

_mesh = plsc.VectorSubcoreMesh(core_axis_name="c", subcore_axis_name="s")


@functools.partial(
    pl.kernel,
    out_type=jax.ShapeDtypeStruct((B, D), jnp.float32),
    mesh=_mesh,
    scratch_types=(
        [pltpu.VMEM((CHUNK,), jnp.int32) for _ in range(NBUF)]
        + [pltpu.VMEM((CHUNK, DP), jnp.float32) for _ in range(NBUF)]
        + [pltpu.VMEM((CHUNK, D), jnp.float32) for _ in range(2)]
        + [pltpu.SemaphoreType.DMA for _ in range(2 * NBUF + 2)]
    ),
    compiler_params=pltpu.CompilerParams(use_tc_tiling_on_sc=True),
)
def _emb_lookup(idx_hbm, table_hbm, out_hbm, *bufs):
    idxb = bufs[0:NBUF]
    rowsb = bufs[NBUF:2 * NBUF]
    outb = bufs[2 * NBUF:2 * NBUF + 2]
    isem = bufs[2 * NBUF + 2:3 * NBUF + 2]
    gsem = bufs[3 * NBUF + 2:4 * NBUF + 2]
    osem = bufs[4 * NBUF + 2:4 * NBUF + 4]

    wid = lax.axis_index("s") * NC + lax.axis_index("c")
    base = wid * BPW

    def idx_start(g, j):
        pltpu.async_copy(idx_hbm.at[pl.ds(base + g * CHUNK, CHUNK)],
                         idxb[j], isem[j])

    def idx_wait(j):
        pltpu.make_async_copy(idx_hbm.at[pl.ds(base, CHUNK)],
                              idxb[j], isem[j]).wait()

    def gather_start(j):
        pltpu.async_copy(table_hbm.at[idxb[j]], rowsb[j], gsem[j])

    def gather_wait(j):
        pltpu.make_async_copy(table_hbm.at[idxb[j]], rowsb[j], gsem[j]).wait()

    def out_start(g, jo):
        pltpu.async_copy(outb[jo],
                         out_hbm.at[pl.ds(base + g * CHUNK, CHUNK)], osem[jo])

    def out_wait(jo):
        pltpu.make_async_copy(outb[jo],
                              out_hbm.at[pl.ds(base, CHUNK)], osem[jo]).wait()

    for j in range(NBUF):
        idx_start(j, j)
    idx_wait(0)
    gather_start(0)
    idx_wait(1)
    gather_start(1)

    def chunk_body(g, j, jo):
        gather_wait(j)

        @pl.when(g + NBUF < NSTEP)
        def _():
            idx_start(g + NBUF, j)

        @pl.when(g + 2 < NSTEP)
        def _():
            j2 = (j + 2) % NBUF
            idx_wait(j2)
            gather_start(j2)

        @pl.when(g >= 2)
        def _():
            out_wait(jo)

        @plsc.parallel_loop(0, CHUNK, 1, unroll=4)
        def _(r):
            for c in range(D // L):
                sl = pl.ds(c * L, L)
                outb[jo][r, sl] = rowsb[j][r, sl]

        out_start(g, jo)

    @pl.loop(0, NSTEP, step=NBUF)
    def _(gg):
        for j in range(NBUF):
            chunk_body(gg + j, j, j % 2)

    out_wait(0)
    out_wait(1)


VOCAB = 1000000
BLKV = 8192


def _tc_transpose_kernel(wt_ref, out_ref):
    out_ref[:, 0:D] = jnp.transpose(wt_ref[...] * SCALE, (1, 0))


def _tc_format_table(wt):
    grid = pl.cdiv(VOCAB, BLKV)
    return pl.pallas_call(
        _tc_transpose_kernel,
        out_shape=jax.ShapeDtypeStruct((VOCAB, DP), jnp.float32),
        grid=(grid,),
        in_specs=[pl.BlockSpec((D, BLKV), lambda i: (0, i))],
        out_specs=pl.BlockSpec((BLKV, DP), lambda i: (i, 0)),
    )(wt)


def kernel(x, weight):
    wp = _tc_format_table(weight.T)
    out = _emb_lookup(x.reshape(B), wp)
    return out.reshape(4096, 200, D)

# --- scband reference (transcript-rebuilt; emitter-appended) ---
"""Pipeline reference for scband-input-embeddings-67138928771374 (READ-ONLY COPY).

The authoritative reference and input builder live on the scoring server;
editing this copy changes nothing except your own understanding.
"""

import jax, jax.numpy as jnp
import numpy as np
import math

D_MODEL = 64
VOCAB = 1000000
PAD_ROW = VOCAB - 1  # padding_idx=-1 wraps to last row in torch


def setup_inputs(seed: int = 0) -> dict:
    key = jax.random.key(seed)
    k1, k2 = jax.random.split(key)
    x = jax.random.randint(k1, (4096, 200), 0, VOCAB, dtype=jnp.int32)
    weight = jax.random.normal(k2, (VOCAB, D_MODEL), dtype=jnp.float32)
    # torch.nn.Embedding zero-initializes the padding_idx row
    weight = weight.at[PAD_ROW].set(0.0)
    return {"x": x, "weight": weight}


def reference(x, weight):
    # embedding gather then scale by sqrt(d_model)
    emb = jnp.take(weight, x, axis=0)
    return emb * math.sqrt(float(D_MODEL))

if __name__ == "__main__":
    import jax
    _d = setup_inputs()
    print(jax.jit(kernel)(*tuple(_d.values())))

</pallas_src>

<mosaic_0001>
#map = affine_map<(d0, d1) -> (0)>
#map1 = affine_map<(d0, d1) -> (0, 0)>
module attributes {stable_mosaic.version = 14 : i64} {
  func.func @_emb_lookup(%arg0: i32, %arg1: i32, %arg2: memref<819200xi32, #tpu.memory_space<hbm>>, %arg3: memref<1000000x128xf32, #tpu.memory_space<hbm>>, %arg4: memref<819200x64xf32, #tpu.memory_space<hbm>>, %arg5: memref<160xi32, #tpu.memory_space<vmem>>, %arg6: memref<160xi32, #tpu.memory_space<vmem>>, %arg7: memref<160xi32, #tpu.memory_space<vmem>>, %arg8: memref<160xi32, #tpu.memory_space<vmem>>, %arg9: memref<160x128xf32, #tpu.memory_space<vmem>>, %arg10: memref<160x128xf32, #tpu.memory_space<vmem>>, %arg11: memref<160x128xf32, #tpu.memory_space<vmem>>, %arg12: memref<160x128xf32, #tpu.memory_space<vmem>>, %arg13: memref<160x64xf32, #tpu.memory_space<vmem>>, %arg14: memref<160x64xf32, #tpu.memory_space<vmem>>, %arg15: memref<!tpu.dma_semaphore, #tpu.memory_space<semaphore_mem>>, %arg16: memref<!tpu.dma_semaphore, #tpu.memory_space<semaphore_mem>>, %arg17: memref<!tpu.dma_semaphore, #tpu.memory_space<semaphore_mem>>, %arg18: memref<!tpu.dma_semaphore, #tpu.memory_space<semaphore_mem>>, %arg19: memref<!tpu.dma_semaphore, #tpu.memory_space<semaphore_mem>>, %arg20: memref<!tpu.dma_semaphore, #tpu.memory_space<semaphore_mem>>, %arg21: memref<!tpu.dma_semaphore, #tpu.memory_space<semaphore_mem>>, %arg22: memref<!tpu.dma_semaphore, #tpu.memory_space<semaphore_mem>>, %arg23: memref<!tpu.dma_semaphore, #tpu.memory_space<semaphore_mem>>, %arg24: memref<!tpu.dma_semaphore, #tpu.memory_space<semaphore_mem>>) attributes {dimension_semantics = [#tpu.dimension_semantics<core_parallel>, #tpu.dimension_semantics<subcore_parallel>], iteration_bounds = array<i64: 2, 16>, scalar_prefetch = 0 : i64, scratch_operands = 20 : i64, tpu.core_type = #tpu.core_type<sc_vector_subcore>, window_params = [{transform_indices = #map}, {transform_indices = #map1}, {transform_indices = #map1}]} {
    %mul3A = arith.constant 2 : i32
    %mul3A_0 = arith.muli %arg1, %mul3A : i32
    %add3A = arith.addi %mul3A_0, %arg0 : i32
    %mul3A_1 = arith.constant 25600 : i32
    %mul3A_2 = arith.muli %add3A, %mul3A_1 : i32
    %add3A_3 = arith.constant 0 : i32
    %add3A_4 = arith.addi %mul3A_2, %add3A_3 : i32
    %dma_start3A = tpu.memref_slice %arg2[%add3A_4] : memref<819200xi32, #tpu.memory_space<hbm>> -> memref<160xi32, #tpu.memory_space<hbm>>
    %dma_start3A_5 = tpu.memref_slice %arg2[%add3A_4] : memref<819200xi32, #tpu.memory_space<hbm>> -> memref<160xi32, #tpu.memory_space<hbm>>
    tpu.enqueue_dma source(%dma_start3A_5 : memref<160xi32, #tpu.memory_space<hbm>>) target(%arg5 : memref<160xi32, #tpu.memory_space<vmem>>) target_semaphore(%arg15 : memref<!tpu.dma_semaphore, #tpu.memory_space<semaphore_mem>>)
    %add3A_6 = arith.constant 160 : i32
    %add3A_7 = arith.addi %mul3A_2, %add3A_6 : i32
    %dma_start3A_8 = tpu.memref_slice %arg2[%add3A_7] : memref<819200xi32, #tpu.memory_space<hbm>> -> memref<160xi32, #tpu.memory_space<hbm>>
    %dma_start3A_9 = tpu.memref_slice %arg2[%add3A_7] : memref<819200xi32, #tpu.memory_space<hbm>> -> memref<160xi32, #tpu.memory_space<hbm>>
    tpu.enqueue_dma source(%dma_start3A_9 : memref<160xi32, #tpu.memory_space<hbm>>) target(%arg6 : memref<160xi32, #tpu.memory_space<vmem>>) target_semaphore(%arg16 : memref<!tpu.dma_semaphore, #tpu.memory_space<semaphore_mem>>)
    %add3A_10 = arith.constant 320 : i32
    %add3A_11 = arith.addi %mul3A_2, %add3A_10 : i32
    %dma_start3A_12 = tpu.memref_slice %arg2[%add3A_11] : memref<819200xi32, #tpu.memory_space<hbm>> -> memref<160xi32, #tpu.memory_space<hbm>>
    %dma_start3A_13 = tpu.memref_slice %arg2[%add3A_11] : memref<819200xi32, #tpu.memory_space<hbm>> -> memref<160xi32, #tpu.memory_space<hbm>>
    tpu.enqueue_dma source(%dma_start3A_13 : memref<160xi32, #tpu.memory_space<hbm>>) target(%arg7 : memref<160xi32, #tpu.memory_space<vmem>>) target_semaphore(%arg17 : memref<!tpu.dma_semaphore, #tpu.memory_space<semaphore_mem>>)
    %add3A_14 = arith.constant 480 : i32
    %add3A_15 = arith.addi %mul3A_2, %add3A_14 : i32
    %dma_start3A_16 = tpu.memref_slice %arg2[%add3A_15] : memref<819200xi32, #tpu.memory_space<hbm>> -> memref<160xi32, #tpu.memory_space<hbm>>
    %dma_start3A_17 = tpu.memref_slice %arg2[%add3A_15] : memref<819200xi32, #tpu.memory_space<hbm>> -> memref<160xi32, #tpu.memory_space<hbm>>
    tpu.enqueue_dma source(%dma_start3A_17 : memref<160xi32, #tpu.memory_space<hbm>>) target(%arg8 : memref<160xi32, #tpu.memory_space<vmem>>) target_semaphore(%arg18 : memref<!tpu.dma_semaphore, #tpu.memory_space<semaphore_mem>>)
    %dma_wait3A = tpu.memref_slice %arg2[%mul3A_2] : memref<819200xi32, #tpu.memory_space<hbm>> -> memref<160xi32, #tpu.memory_space<hbm>>
    %dma_wait3A_18 = tpu.memref_slice %arg2[%mul3A_2] : memref<819200xi32, #tpu.memory_space<hbm>> -> memref<160xi32, #tpu.memory_space<hbm>>
    tpu.wait_dma2 semaphore(%arg15 : memref<!tpu.dma_semaphore, #tpu.memory_space<semaphore_mem>>) src(%dma_wait3A_18 : memref<160xi32, #tpu.memory_space<hbm>>) dst(%arg5 : memref<160xi32, #tpu.memory_space<vmem>>)
    %dma_start3A_19 = arith.constant 0 : i32
    %dma_start3A_20 = arith.constant 0 : i32
    %dma_start3A_21 = tpu.memref_slice %arg3[%dma_start3A_19, %dma_start3A_20] : memref<1000000x128xf32, #tpu.memory_space<hbm>> -> memref<1000000x128xf32, #tpu.memory_space<hbm>>
    tpu.enqueue_indirect_dma source(%dma_start3A_21 : memref<1000000x128xf32, #tpu.memory_space<hbm>>) target(%arg9 : memref<160x128xf32, #tpu.memory_space<vmem>>) offsets(%arg5 : memref<160xi32, #tpu.memory_space<vmem>>) semaphore(%arg19 : memref<!tpu.dma_semaphore, #tpu.memory_space<semaphore_mem>>)
    %dma_wait3A_22 = tpu.memref_slice %arg2[%mul3A_2] : memref<819200xi32, #tpu.memory_space<hbm>> -> memref<160xi32, #tpu.memory_space<hbm>>
    %dma_wait3A_23 = tpu.memref_slice %arg2[%mul3A_2] : memref<819200xi32, #tpu.memory_space<hbm>> -> memref<160xi32, #tpu.memory_space<hbm>>
    tpu.wait_dma2 semaphore(%arg16 : memref<!tpu.dma_semaphore, #tpu.memory_space<semaphore_mem>>) src(%dma_wait3A_23 : memref<160xi32, #tpu.memory_space<hbm>>) dst(%arg6 : memref<160xi32, #tpu.memory_space<vmem>>)
    %dma_start3A_24 = arith.constant 0 : i32
    %dma_start3A_25 = arith.constant 0 : i32
    %dma_start3A_26 = tpu.memref_slice %arg3[%dma_start3A_24, %dma_start3A_25] : memref<1000000x128xf32, #tpu.memory_space<hbm>> -> memref<1000000x128xf32, #tpu.memory_space<hbm>>
    tpu.enqueue_indirect_dma source(%dma_start3A_26 : memref<1000000x128xf32, #tpu.memory_space<hbm>>) target(%arg10 : memref<160x128xf32, #tpu.memory_space<vmem>>) offsets(%arg6 : memref<160xi32, #tpu.memory_space<vmem>>) semaphore(%arg20 : memref<!tpu.dma_semaphore, #tpu.memory_space<semaphore_mem>>)
    %scan3A = arith.constant 0 : i32
    %scan3A_27 = arith.constant 40 : i32
    %scan3A_28 = arith.addi %scan3A, %scan3A_27 : i32
    %scan3A_29 = arith.constant 1 : i32
    scf.for %scan3A_39 = %scan3A to %scan3A_28 step %scan3A_29  : i32 {
      %mul3A_40 = arith.constant 4 : i32
      %mul3A_41 = arith.muli %scan3A_39, %mul3A_40 : i32
      %add3A_42 = arith.constant 0 : i32
      %add3A_43 = arith.addi %add3A_42, %mul3A_41 : i32
      %add3A_44 = arith.constant 0 : i32
      %add3A_45 = arith.addi %add3A_43, %add3A_44 : i32
      %dma_wait3A_46 = arith.constant 0 : i32
      %dma_wait3A_47 = arith.constant 0 : i32
      %dma_wait3A_48 = tpu.memref_slice %arg3[%dma_wait3A_46, %dma_wait3A_47] : memref<1000000x128xf32, #tpu.memory_space<hbm>> -> memref<1000000x128xf32, #tpu.memory_space<hbm>>
      tpu.wait_indirect_dma semaphore(%arg19 : memref<!tpu.dma_semaphore, #tpu.memory_space<semaphore_mem>>) src(%dma_wait3A_48 : memref<1000000x128xf32, #tpu.memory_space<hbm>>) dst(%arg9 : memref<160x128xf32, #tpu.memory_space<vmem>>)
      %add3A_49 = arith.constant 4 : i32
      %add3A_50 = arith.addi %add3A_45, %add3A_49 : i32
      %lt3A = arith.constant 160 : i32
      %lt3A_51 = arith.cmpi slt, %add3A_50, %lt3A : i32
      %convert_element_type3A = arith.extui %lt3A_51 : i1 to i32
      %cond3A = arith.constant 0 : i32
      %cond3A_52 = arith.cmpi ne, %convert_element_type3A, %cond3A : i32
      scf.if %cond3A_52 {
        %add3A_175 = arith.constant 4 : i32
        %add3A_176 = arith.addi %add3A_45, %add3A_175 : i32
        %mul3A_177 = arith.constant 160 : i32
        %mul3A_178 = arith.muli %add3A_176, %mul3A_177 : i32
        %add3A_179 = arith.addi %mul3A_2, %mul3A_178 : i32
        %dma_start3A_180 = tpu.memref_slice %arg2[%add3A_179] : memref<819200xi32, #tpu.memory_space<hbm>> -> memref<160xi32, #tpu.memory_space<hbm>>
        %dma_start3A_181 = tpu.memref_slice %arg2[%add3A_179] : memref<819200xi32, #tpu.memory_space<hbm>> -> memref<160xi32, #tpu.memory_space<hbm>>
        tpu.enqueue_dma source(%dma_start3A_181 : memref<160xi32, #tpu.memory_space<hbm>>) target(%arg5 : memref<160xi32, #tpu.memory_space<vmem>>) target_semaphore(%arg15 : memref<!tpu.dma_semaphore, #tpu.memory_space<semaphore_mem>>)
      } else {
      }
      %add3A_53 = arith.constant 2 : i32
      %add3A_54 = arith.addi %add3A_45, %add3A_53 : i32
      %lt3A_55 = arith.constant 160 : i32
      %lt3A_56 = arith.cmpi slt, %add3A_54, %lt3A_55 : i32
      %convert_element_type3A_57 = arith.extui %lt3A_56 : i1 to i32
      %cond3A_58 = arith.constant 0 : i32
      %cond3A_59 = arith.cmpi ne, %convert_element_type3A_57, %cond3A_58 : i32
      scf.if %cond3A_59 {
        %dma_wait3A_175 = tpu.memref_slice %arg2[%mul3A_2] : memref<819200xi32, #tpu.memory_space<hbm>> -> memref<160xi32, #tpu.memory_space<hbm>>
        %dma_wait3A_176 = tpu.memref_slice %arg2[%mul3A_2] : memref<819200xi32, #tpu.memory_space<hbm>> -> memref<160xi32, #tpu.memory_space<hbm>>
        tpu.wait_dma2 semaphore(%arg17 : memref<!tpu.dma_semaphore, #tpu.memory_space<semaphore_mem>>) src(%dma_wait3A_176 : memref<160xi32, #tpu.memory_space<hbm>>) dst(%arg7 : memref<160xi32, #tpu.memory_space<vmem>>)
        %dma_start3A_177 = arith.constant 0 : i32
        %dma_start3A_178 = arith.constant 0 : i32
        %dma_start3A_179 = tpu.memref_slice %arg3[%dma_start3A_177, %dma_start3A_178] : memref<1000000x128xf32, #tpu.memory_space<hbm>> -> memref<1000000x128xf32, #tpu.memory_space<hbm>>
        tpu.enqueue_indirect_dma source(%dma_start3A_179 : memref<1000000x128xf32, #tpu.memory_space<hbm>>) target(%arg11 : memref<160x128xf32, #tpu.memory_space<vmem>>) offsets(%arg7 : memref<160xi32, #tpu.memory_space<vmem>>) semaphore(%arg21 : memref<!tpu.dma_semaphore, #tpu.memory_space<semaphore_mem>>)
      } else {
      }
      %ge3A = arith.constant 2 : i32
      %ge3A_60 = arith.cmpi sge, %add3A_45, %ge3A : i32
      %convert_element_type3A_61 = arith.extui %ge3A_60 : i1 to i32
      %cond3A_62 = arith.constant 0 : i32
      %cond3A_63 = arith.cmpi ne, %convert_element_type3A_61, %cond3A_62 : i32
      scf.if %cond3A_63 {
        %dma_wait3A_175 = arith.constant 0 : i32
        %dma_wait3A_176 = tpu.memref_slice %arg4[%mul3A_2, %dma_wait3A_175] : memref<819200x64xf32, #tpu.memory_space<hbm>> -> memref<160x64xf32, #tpu.memory_space<hbm>>
        %dma_wait3A_177 = arith.constant 0 : i32
        %dma_wait3A_178 = tpu.memref_slice %arg4[%mul3A_2, %dma_wait3A_177] : memref<819200x64xf32, #tpu.memory_space<hbm>> -> memref<160x64xf32, #tpu.memory_space<hbm>>
        tpu.wait_dma2 semaphore(%arg23 : memref<!tpu.dma_semaphore, #tpu.memory_space<semaphore_mem>>) src(%arg13 : memref<160x64xf32, #tpu.memory_space<vmem>>) dst(%dma_wait3A_178 : memref<160x64xf32, #tpu.memory_space<hbm>>)
      } else {
      }
      %parallel_loop3A = arith.constant 0 : i32
      %parallel_loop3A_64 = arith.constant 160 : i32
      %parallel_loop3A_65 = arith.constant 1 : i32
      scf.for %parallel_loop3A_175 = %parallel_loop3A to %parallel_loop3A_64 step %parallel_loop3A_65  : i32 {
        %parallel_loop3A_176 = arith.index_cast %parallel_loop3A_175 : i32 to index
        %parallel_loop3A_177 = arith.constant 0 : index
        %parallel_loop3A_178 = tpu.vector_load %arg9[%parallel_loop3A_176, %parallel_loop3A_177] {strides = array<i32>} : memref<160x128xf32, #tpu.memory_space<vmem>>, vector<1x16xf32>,
        %parallel_loop3A_179 = vector.shape_cast %parallel_loop3A_178 : vector<1x16xf32> to vector<16xf32>
        %parallel_loop3A_180 = arith.index_cast %parallel_loop3A_175 : i32 to index
        %parallel_loop3A_181 = arith.constant 0 : index
        %parallel_loop3A_182 = tpu.vector_load %arg13[%parallel_loop3A_180, %parallel_loop3A_181] {strides = array<i32>} : memref<160x64xf32, #tpu.memory_space<vmem>>, vector<1x16xf32>,
        %parallel_loop3A_183 = vector.shape_cast %parallel_loop3A_182 : vector<1x16xf32> to vector<16xf32>
        %parallel_loop3A_184 = vector.shape_cast %parallel_loop3A_179 : vector<16xf32> to vector<1x16xf32>
        tpu.vector_store %arg13[%parallel_loop3A_180, %parallel_loop3A_181], %parallel_loop3A_184 {strides = array<i32>} : memref<160x64xf32, #tpu.memory_space<vmem>>, vector<1x16xf32>,
        %parallel_loop3A_185 = arith.index_cast %parallel_loop3A_175 : i32 to index
        %parallel_loop3A_186 = arith.constant 16 : index
        %parallel_loop3A_187 = tpu.vector_load %arg9[%parallel_loop3A_185, %parallel_loop3A_186] {strides = array<i32>} : memref<160x128xf32, #tpu.memory_space<vmem>>, vector<1x16xf32>,
        %parallel_loop3A_188 = vector.shape_cast %parallel_loop3A_187 : vector<1x16xf32> to vector<16xf32>
        %parallel_loop3A_189 = arith.index_cast %parallel_loop3A_175 : i32 to index
        %parallel_loop3A_190 = arith.constant 16 : index
        %parallel_loop3A_191 = tpu.vector_load %arg13[%parallel_loop3A_189, %parallel_loop3A_190] {strides = array<i32>} : memref<160x64xf32, #tpu.memory_space<vmem>>, vector<1x16xf32>,
        %parallel_loop3A_192 = vector.shape_cast %parallel_loop3A_191 : vector<1x16xf32> to vector<16xf32>
        %parallel_loop3A_193 = vector.shape_cast %parallel_loop3A_188 : vector<16xf32> to vector<1x16xf32>
        tpu.vector_store %arg13[%parallel_loop3A_189, %parallel_loop3A_190], %parallel_loop3A_193 {strides = array<i32>} : memref<160x64xf32, #tpu.memory_space<vmem>>, vector<1x16xf32>,
        %parallel_loop3A_194 = arith.index_cast %parallel_loop3A_175 : i32 to index
        %parallel_loop3A_195 = arith.constant 32 : index
        %parallel_loop3A_196 = tpu.vector_load %arg9[%parallel_loop3A_194, %parallel_loop3A_195] {strides = array<i32>} : memref<160x128xf32, #tpu.memory_space<vmem>>, vector<1x16xf32>,
        %parallel_loop3A_197 = vector.shape_cast %parallel_loop3A_196 : vector<1x16xf32> to vector<16xf32>
        %parallel_loop3A_198 = arith.index_cast %parallel_loop3A_175 : i32 to index
        %parallel_loop3A_199 = arith.constant 32 : index
        %parallel_loop3A_200 = tpu.vector_load %arg13[%parallel_loop3A_198, %parallel_loop3A_199] {strides = array<i32>} : memref<160x64xf32, #tpu.memory_space<vmem>>, vector<1x16xf32>,
        %parallel_loop3A_201 = vector.shape_cast %parallel_loop3A_200 : vector<1x16xf32> to vector<16xf32>
        %parallel_loop3A_202 = vector.shape_cast %parallel_loop3A_197 : vector<16xf32> to vector<1x16xf32>
        tpu.vector_store %arg13[%parallel_loop3A_198, %parallel_loop3A_199], %parallel_loop3A_202 {strides = array<i32>} : memref<160x64xf32, #tpu.memory_space<vmem>>, vector<1x16xf32>,
        %parallel_loop3A_203 = arith.index_cast %parallel_loop3A_175 : i32 to index
        %parallel_loop3A_204 = arith.constant 48 : index
        %parallel_loop3A_205 = tpu.vector_load %arg9[%parallel_loop3A_203, %parallel_loop3A_204] {strides = array<i32>} : memref<160x128xf32, #tpu.memory_space<vmem>>, vector<1x16xf32>,
        %parallel_loop3A_206 = vector.shape_cast %parallel_loop3A_205 : vector<1x16xf32> to vector<16xf32>
        %parallel_loop3A_207 = arith.index_cast %parallel_loop3A_175 : i32 to index
        %parallel_loop3A_208 = arith.constant 48 : index
        %parallel_loop3A_209 = tpu.vector_load %arg13[%parallel_loop3A_207, %parallel_loop3A_208] {strides = array<i32>} : memref<160x64xf32, #tpu.memory_space<vmem>>, vector<1x16xf32>,
        %parallel_loop3A_210 = vector.shape_cast %parallel_loop3A_209 : vector<1x16xf32> to vector<16xf32>
        %parallel_loop3A_211 = vector.shape_cast %parallel_loop3A_206 : vector<16xf32> to vector<1x16xf32>
        tpu.vector_store %arg13[%parallel_loop3A_207, %parallel_loop3A_208], %parallel_loop3A_211 {strides = array<i32>} : memref<160x64xf32, #tpu.memory_space<vmem>>, vector<1x16xf32>,
      } {sc.loop_unroll_factor = 4 : i64, sc.parallel_access}
      %mul3A_66 = arith.constant 160 : i32
      %mul3A_67 = arith.muli %add3A_45, %mul3A_66 : i32
      %add3A_68 = arith.addi %mul3A_2, %mul3A_67 : i32
      %dma_start3A_69 = arith.constant 0 : i32
      %dma_start3A_70 = tpu.memref_slice %arg4[%add3A_68, %dma_start3A_69] : memref<819200x64xf32, #tpu.memory_space<hbm>> -> memref<160x64xf32, #tpu.memory_space<hbm>>
      %dma_start3A_71 = arith.constant 0 : i32
      %dma_start3A_72 = tpu.memref_slice %arg4[%add3A_68, %dma_start3A_71] : memref<819200x64xf32, #tpu.memory_space<hbm>> -> memref<160x64xf32, #tpu.memory_space<hbm>>
      tpu.enqueue_dma source(%arg13 : memref<160x64xf32, #tpu.memory_space<vmem>>) target(%dma_start3A_72 : memref<160x64xf32, #tpu.memory_space<hbm>>) target_semaphore(%arg23 : memref<!tpu.dma_semaphore, #tpu.memory_space<semaphore_mem>>)
      %add3A_73 = arith.constant 1 : i32
      %add3A_74 = arith.addi %add3A_43, %add3A_73 : i32
      %dma_wait3A_75 = arith.constant 0 : i32
      %dma_wait3A_76 = arith.constant 0 : i32
      %dma_wait3A_77 = tpu.memref_slice %arg3[%dma_wait3A_75, %dma_wait3A_76] : memref<1000000x128xf32, #tpu.memory_space<hbm>> -> memref<1000000x128xf32, #tpu.memory_space<hbm>>
      tpu.wait_indirect_dma semaphore(%arg20 : memref<!tpu.dma_semaphore, #tpu.memory_space<semaphore_mem>>) src(%dma_wait3A_77 : memref<1000000x128xf32, #tpu.memory_space<hbm>>) dst(%arg10 : memref<160x128xf32, #tpu.memory_space<vmem>>)
      %add3A_78 = arith.constant 4 : i32
      %add3A_79 = arith.addi %add3A_74, %add3A_78 : i32
      %lt3A_80 = arith.constant 160 : i32
      %lt3A_81 = arith.cmpi slt, %add3A_79, %lt3A_80 : i32
      %convert_element_type3A_82 = arith.extui %lt3A_81 : i1 to i32
      %cond3A_83 = arith.constant 0 : i32
      %cond3A_84 = arith.cmpi ne, %convert_element_type3A_82, %cond3A_83 : i32
      scf.if %cond3A_84 {
        %add3A_175 = arith.constant 4 : i32
        %add3A_176 = arith.addi %add3A_74, %add3A_175 : i32
        %mul3A_177 = arith.constant 160 : i32
        %mul3A_178 = arith.muli %add3A_176, %mul3A_177 : i32
        %add3A_179 = arith.addi %mul3A_2, %mul3A_178 : i32
        %dma_start3A_180 = tpu.memref_slice %arg2[%add3A_179] : memref<819200xi32, #tpu.memory_space<hbm>> -> memref<160xi32, #tpu.memory_space<hbm>>
        %dma_start3A_181 = tpu.memref_slice %arg2[%add3A_179] : memref<819200xi32, #tpu.memory_space<hbm>> -> memref<160xi32, #tpu.memory_space<hbm>>
        tpu.enqueue_dma source(%dma_start3A_181 : memref<160xi32, #tpu.memory_space<hbm>>) target(%arg6 : memref<160xi32, #tpu.memory_space<vmem>>) target_semaphore(%arg16 : memref<!tpu.dma_semaphore, #tpu.memory_space<semaphore_mem>>)
      } else {
      }
      %add3A_85 = arith.constant 2 : i32
      %add3A_86 = arith.addi %add3A_74, %add3A_85 : i32
      %lt3A_87 = arith.constant 160 : i32
      %lt3A_88 = arith.cmpi slt, %add3A_86, %lt3A_87 : i32
      %convert_element_type3A_89 = arith.extui %lt3A_88 : i1 to i32
      %cond3A_90 = arith.constant 0 : i32
      %cond3A_91 = arith.cmpi ne, %convert_element_type3A_89, %cond3A_90 : i32
      scf.if %cond3A_91 {
        %dma_wait3A_175 = tpu.memref_slice %arg2[%mul3A_2] : memref<819200xi32, #tpu.memory_space<hbm>> -> memref<160xi32, #tpu.memory_space<hbm>>
        %dma_wait3A_176 = tpu.memref_slice %arg2[%mul3A_2] : memref<819200xi32, #tpu.memory_space<hbm>> -> memref<160xi32, #tpu.memory_space<hbm>>
        tpu.wait_dma2 semaphore(%arg18 : memref<!tpu.dma_semaphore, #tpu.memory_space<semaphore_mem>>) src(%dma_wait3A_176 : memref<160xi32, #tpu.memory_space<hbm>>) dst(%arg8 : memref<160xi32, #tpu.memory_space<vmem>>)
        %dma_start3A_177 = arith.constant 0 : i32
        %dma_start3A_178 = arith.constant 0 : i32
        %dma_start3A_179 = tpu.memref_slice %arg3[%dma_start3A_177, %dma_start3A_178] : memref<1000000x128xf32, #tpu.memory_space<hbm>> -> memref<1000000x128xf32, #tpu.memory_space<hbm>>
        tpu.enqueue_indirect_dma source(%dma_start3A_179 : memref<1000000x128xf32, #tpu.memory_space<hbm>>) target(%arg12 : memref<160x128xf32, #tpu.memory_space<vmem>>) offsets(%arg8 : memref<160xi32, #tpu.memory_space<vmem>>) semaphore(%arg22 : memref<!tpu.dma_semaphore, #tpu.memory_space<semaphore_mem>>)
      } else {
      }
      %ge3A_92 = arith.constant 2 : i32
      %ge3A_93 = arith.cmpi sge, %add3A_74, %ge3A_92 : i32
      %convert_element_type3A_94 = arith.extui %ge3A_93 : i1 to i32
      %cond3A_95 = arith.constant 0 : i32
      %cond3A_96 = arith.cmpi ne, %convert_element_type3A_94, %cond3A_95 : i32
      scf.if %cond3A_96 {
        %dma_wait3A_175 = arith.constant 0 : i32
        %dma_wait3A_176 = tpu.memref_slice %arg4[%mul3A_2, %dma_wait3A_175] : memref<819200x64xf32, #tpu.memory_space<hbm>> -> memref<160x64xf32, #tpu.memory_space<hbm>>
        %dma_wait3A_177 = arith.constant 0 : i32
        %dma_wait3A_178 = tpu.memref_slice %arg4[%mul3A_2, %dma_wait3A_177] : memref<819200x64xf32, #tpu.memory_space<hbm>> -> memref<160x64xf32, #tpu.memory_space<hbm>>
        tpu.wait_dma2 semaphore(%arg24 : memref<!tpu.dma_semaphore, #tpu.memory_space<semaphore_mem>>) src(%arg14 : memref<160x64xf32, #tpu.memory_space<vmem>>) dst(%dma_wait3A_178 : memref<160x64xf32, #tpu.memory_space<hbm>>)
      } else {
      }
      %parallel_loop3A_97 = arith.constant 0 : i32
      %parallel_loop3A_98 = arith.constant 160 : i32
      %parallel_loop3A_99 = arith.constant 1 : i32
      scf.for %parallel_loop3A_175 = %parallel_loop3A_97 to %parallel_loop3A_98 step %parallel_loop3A_99  : i32 {
        %parallel_loop3A_176 = arith.index_cast %parallel_loop3A_175 : i32 to index
        %parallel_loop3A_177 = arith.constant 0 : index
        %parallel_loop3A_178 = tpu.vector_load %arg10[%parallel_loop3A_176, %parallel_loop3A_177] {strides = array<i32>} : memref<160x128xf32, #tpu.memory_space<vmem>>, vector<1x16xf32>,
        %parallel_loop3A_179 = vector.shape_cast %parallel_loop3A_178 : vector<1x16xf32> to vector<16xf32>
        %parallel_loop3A_180 = arith.index_cast %parallel_loop3A_175 : i32 to index
        %parallel_loop3A_181 = arith.constant 0 : index
        %parallel_loop3A_182 = tpu.vector_load %arg14[%parallel_loop3A_180, %parallel_loop3A_181] {strides = array<i32>} : memref<160x64xf32, #tpu.memory_space<vmem>>, vector<1x16xf32>,
        %parallel_loop3A_183 = vector.shape_cast %parallel_loop3A_182 : vector<1x16xf32> to vector<16xf32>
        %parallel_loop3A_184 = vector.shape_cast %parallel_loop3A_179 : vector<16xf32> to vector<1x16xf32>
        tpu.vector_store %arg14[%parallel_loop3A_180, %parallel_loop3A_181], %parallel_loop3A_184 {strides = array<i32>} : memref<160x64xf32, #tpu.memory_space<vmem>>, vector<1x16xf32>,
        %parallel_loop3A_185 = arith.index_cast %parallel_loop3A_175 : i32 to index
        %parallel_loop3A_186 = arith.constant 16 : index
        %parallel_loop3A_187 = tpu.vector_load %arg10[%parallel_loop3A_185, %parallel_loop3A_186] {strides = array<i32>} : memref<160x128xf32, #tpu.memory_space<vmem>>, vector<1x16xf32>,
        %parallel_loop3A_188 = vector.shape_cast %parallel_loop3A_187 : vector<1x16xf32> to vector<16xf32>
        %parallel_loop3A_189 = arith.index_cast %parallel_loop3A_175 : i32 to index
        %parallel_loop3A_190 = arith.constant 16 : index
        %parallel_loop3A_191 = tpu.vector_load %arg14[%parallel_loop3A_189, %parallel_loop3A_190] {strides = array<i32>} : memref<160x64xf32, #tpu.memory_space<vmem>>, vector<1x16xf32>,
        %parallel_loop3A_192 = vector.shape_cast %parallel_loop3A_191 : vector<1x16xf32> to vector<16xf32>
        %parallel_loop3A_193 = vector.shape_cast %parallel_loop3A_188 : vector<16xf32> to vector<1x16xf32>
        tpu.vector_store %arg14[%parallel_loop3A_189, %parallel_loop3A_190], %parallel_loop3A_193 {strides = array<i32>} : memref<160x64xf32, #tpu.memory_space<vmem>>, vector<1x16xf32>,
        %parallel_loop3A_194 = arith.index_cast %parallel_loop3A_175 : i32 to index
        %parallel_loop3A_195 = arith.constant 32 : index
        %parallel_loop3A_196 = tpu.vector_load %arg10[%parallel_loop3A_194, %parallel_loop3A_195] {strides = array<i32>} : memref<160x128xf32, #tpu.memory_space<vmem>>, vector<1x16xf32>,
        %parallel_loop3A_197 = vector.shape_cast %parallel_loop3A_196 : vector<1x16xf32> to vector<16xf32>
        %parallel_loop3A_198 = arith.index_cast %parallel_loop3A_175 : i32 to index
        %parallel_loop3A_199 = arith.constant 32 : index
        %parallel_loop3A_200 = tpu.vector_load %arg14[%parallel_loop3A_198, %parallel_loop3A_199] {strides = array<i32>} : memref<160x64xf32, #tpu.memory_space<vmem>>, vector<1x16xf32>,
        %parallel_loop3A_201 = vector.shape_cast %parallel_loop3A_200 : vector<1x16xf32> to vector<16xf32>
        %parallel_loop3A_202 = vector.shape_cast %parallel_loop3A_197 : vector<16xf32> to vector<1x16xf32>
        tpu.vector_store %arg14[%parallel_loop3A_198, %parallel_loop3A_199], %parallel_loop3A_202 {strides = array<i32>} : memref<160x64xf32, #tpu.memory_space<vmem>>, vector<1x16xf32>,
        %parallel_loop3A_203 = arith.index_cast %parallel_loop3A_175 : i32 to index
        %parallel_loop3A_204 = arith.constant 48 : index
        %parallel_loop3A_205 = tpu.vector_load %arg10[%parallel_loop3A_203, %parallel_loop3A_204] {strides = array<i32>} : memref<160x128xf32, #tpu.memory_space<vmem>>, vector<1x16xf32>,
        %parallel_loop3A_206 = vector.shape_cast %parallel_loop3A_205 : vector<1x16xf32> to vector<16xf32>
        %parallel_loop3A_207 = arith.index_cast %parallel_loop3A_175 : i32 to index
        %parallel_loop3A_208 = arith.constant 48 : index
        %parallel_loop3A_209 = tpu.vector_load %arg14[%parallel_loop3A_207, %parallel_loop3A_208] {strides = array<i32>} : memref<160x64xf32, #tpu.memory_space<vmem>>, vector<1x16xf32>,
        %parallel_loop3A_210 = vector.shape_cast %parallel_loop3A_209 : vector<1x16xf32> to vector<16xf32>
        %parallel_loop3A_211 = vector.shape_cast %parallel_loop3A_206 : vector<16xf32> to vector<1x16xf32>
        tpu.vector_store %arg14[%parallel_loop3A_207, %parallel_loop3A_208], %parallel_loop3A_211 {strides = array<i32>} : memref<160x64xf32, #tpu.memory_space<vmem>>, vector<1x16xf32>,
      } {sc.loop_unroll_factor = 4 : i64, sc.parallel_access}
      %mul3A_100 = arith.constant 160 : i32
      %mul3A_101 = arith.muli %add3A_74, %mul3A_100 : i32
      %add3A_102 = arith.addi %mul3A_2, %mul3A_101 : i32
      %dma_start3A_103 = arith.constant 0 : i32
      %dma_start3A_104 = tpu.memref_slice %arg4[%add3A_102, %dma_start3A_103] : memref<819200x64xf32, #tpu.memory_space<hbm>> -> memref<160x64xf32, #tpu.memory_space<hbm>>
      %dma_start3A_105 = arith.constant 0 : i32
      %dma_start3A_106 = tpu.memref_slice %arg4[%add3A_102, %dma_start3A_105] : memref<819200x64xf32, #tpu.memory_space<hbm>> -> memref<160x64xf32, #tpu.memory_space<hbm>>
      tpu.enqueue_dma source(%arg14 : memref<160x64xf32, #tpu.memory_space<vmem>>) target(%dma_start3A_106 : memref<160x64xf32, #tpu.memory_space<hbm>>) target_semaphore(%arg24 : memref<!tpu.dma_semaphore, #tpu.memory_space<semaphore_mem>>)
      %add3A_107 = arith.constant 2 : i32
      %add3A_108 = arith.addi %add3A_43, %add3A_107 : i32
      %dma_wait3A_109 = arith.constant 0 : i32
      %dma_wait3A_110 = arith.constant 0 : i32
      %dma_wait3A_111 = tpu.memref_slice %arg3[%dma_wait3A_109, %dma_wait3A_110] : memref<1000000x128xf32, #tpu.memory_space<hbm>> -> memref<1000000x128xf32, #tpu.memory_space<hbm>>
      tpu.wait_indirect_dma semaphore(%arg21 : memref<!tpu.dma_semaphore, #tpu.memory_space<semaphore_mem>>) src(%dma_wait3A_111 : memref<1000000x128xf32, #tpu.memory_space<hbm>>) dst(%arg11 : memref<160x128xf32, #tpu.memory_space<vmem>>)
      %add3A_112 = arith.constant 4 : i32
      %add3A_113 = arith.addi %add3A_108, %add3A_112 : i32
      %lt3A_114 = arith.constant 160 : i32
      %lt3A_115 = arith.cmpi slt, %add3A_113, %lt3A_114 : i32
      %convert_element_type3A_116 = arith.extui %lt3A_115 : i1 to i32
      %cond3A_117 = arith.constant 0 : i32
      %cond3A_118 = arith.cmpi ne, %convert_element_type3A_116, %cond3A_117 : i32
      scf.if %cond3A_118 {
        %add3A_175 = arith.constant 4 : i32
        %add3A_176 = arith.addi %add3A_108, %add3A_175 : i32
        %mul3A_177 = arith.constant 160 : i32
        %mul3A_178 = arith.muli %add3A_176, %mul3A_177 : i32
        %add3A_179 = arith.addi %mul3A_2, %mul3A_178 : i32
        %dma_start3A_180 = tpu.memref_slice %arg2[%add3A_179] : memref<819200xi32, #tpu.memory_space<hbm>> -> memref<160xi32, #tpu.memory_space<hbm>>
        %dma_start3A_181 = tpu.memref_slice %arg2[%add3A_179] : memref<819200xi32, #tpu.memory_space<hbm>> -> memref<160xi32, #tpu.memory_space<hbm>>
        tpu.enqueue_dma source(%dma_start3A_181 : memref<160xi32, #tpu.memory_space<hbm>>) target(%arg7 : memref<160xi32, #tpu.memory_space<vmem>>) target_semaphore(%arg17 : memref<!tpu.dma_semaphore, #tpu.memory_space<semaphore_mem>>)
      } else {
      }
      %add3A_119 = arith.constant 2 : i32
      %add3A_120 = arith.addi %add3A_108, %add3A_119 : i32
      %lt3A_121 = arith.constant 160 : i32
      %lt3A_122 = arith.cmpi slt, %add3A_120, %lt3A_121 : i32
      %convert_element_type3A_123 = arith.extui %lt3A_122 : i1 to i32
      %cond3A_124 = arith.constant 0 : i32
      %cond3A_125 = arith.cmpi ne, %convert_element_type3A_123, %cond3A_124 : i32
      scf.if %cond3A_125 {
        %dma_wait3A_175 = tpu.memref_slice %arg2[%mul3A_2] : memref<819200xi32, #tpu.memory_space<hbm>> -> memref<160xi32, #tpu.memory_space<hbm>>
        %dma_wait3A_176 = tpu.memref_slice %arg2[%mul3A_2] : memref<819200xi32, #tpu.memory_space<hbm>> -> memref<160xi32, #tpu.memory_space<hbm>>
        tpu.wait_dma2 semaphore(%arg15 : memref<!tpu.dma_semaphore, #tpu.memory_space<semaphore_mem>>) src(%dma_wait3A_176 : memref<160xi32, #tpu.memory_space<hbm>>) dst(%arg5 : memref<160xi32, #tpu.memory_space<vmem>>)
        %dma_start3A_177 = arith.constant 0 : i32
        %dma_start3A_178 = arith.constant 0 : i32
        %dma_start3A_179 = tpu.memref_slice %arg3[%dma_start3A_177, %dma_start3A_178] : memref<1000000x128xf32, #tpu.memory_space<hbm>> -> memref<1000000x128xf32, #tpu.memory_space<hbm>>
        tpu.enqueue_indirect_dma source(%dma_start3A_179 : memref<1000000x128xf32, #tpu.memory_space<hbm>>) target(%arg9 : memref<160x128xf32, #tpu.memory_space<vmem>>) offsets(%arg5 : memref<160xi32, #tpu.memory_space<vmem>>) semaphore(%arg19 : memref<!tpu.dma_semaphore, #tpu.memory_space<semaphore_mem>>)
      } else {
      }
      %ge3A_126 = arith.constant 2 : i32
      %ge3A_127 = arith.cmpi sge, %add3A_108, %ge3A_126 : i32
      %convert_element_type3A_128 = arith.extui %ge3A_127 : i1 to i32
      %cond3A_129 = arith.constant 0 : i32
      %cond3A_130 = arith.cmpi ne, %convert_element_type3A_128, %cond3A_129 : i32
      scf.if %cond3A_130 {
        %dma_wait3A_175 = arith.constant 0 : i32
        %dma_wait3A_176 = tpu.memref_slice %arg4[%mul3A_2, %dma_wait3A_175] : memref<819200x64xf32, #tpu.memory_space<hbm>> -> memref<160x64xf32, #tpu.memory_space<hbm>>
        %dma_wait3A_177 = arith.constant 0 : i32
        %dma_wait3A_178 = tpu.memref_slice %arg4[%mul3A_2, %dma_wait3A_177] : memref<819200x64xf32, #tpu.memory_space<hbm>> -> memref<160x64xf32, #tpu.memory_space<hbm>>
        tpu.wait_dma2 semaphore(%arg23 : memref<!tpu.dma_semaphore, #tpu.memory_space<semaphore_mem>>) src(%arg13 : memref<160x64xf32, #tpu.memory_space<vmem>>) dst(%dma_wait3A_178 : memref<160x64xf32, #tpu.memory_space<hbm>>)
      } else {
      }
      %parallel_loop3A_131 = arith.constant 0 : i32
      %parallel_loop3A_132 = arith.constant 160 : i32
      %parallel_loop3A_133 = arith.constant 1 : i32
      scf.for %parallel_loop3A_175 = %parallel_loop3A_131 to %parallel_loop3A_132 step %parallel_loop3A_133  : i32 {
        %parallel_loop3A_176 = arith.index_cast %parallel_loop3A_175 : i32 to index
        %parallel_loop3A_177 = arith.constant 0 : index
        %parallel_loop3A_178 = tpu.vector_load %arg11[%parallel_loop3A_176, %parallel_loop3A_177] {strides = array<i32>} : memref<160x128xf32, #tpu.memory_space<vmem>>, vector<1x16xf32>,
        %parallel_loop3A_179 = vector.shape_cast %parallel_loop3A_178 : vector<1x16xf32> to vector<16xf32>
        %parallel_loop3A_180 = arith.index_cast %parallel_loop3A_175 : i32 to index
        %parallel_loop3A_181 = arith.constant 0 : index
        %parallel_loop3A_182 = tpu.vector_load %arg13[%parallel_loop3A_180, %parallel_loop3A_181] {strides = array<i32>} : memref<160x64xf32, #tpu.memory_space<vmem>>, vector<1x16xf32>,
        %parallel_loop3A_183 = vector.shape_cast %parallel_loop3A_182 : vector<1x16xf32> to vector<16xf32>
        %parallel_loop3A_184 = vector.shape_cast %parallel_loop3A_179 : vector<16xf32> to vector<1x16xf32>
        tpu.vector_store %arg13[%parallel_loop3A_180, %parallel_loop3A_181], %parallel_loop3A_184 {strides = array<i32>} : memref<160x64xf32, #tpu.memory_space<vmem>>, vector<1x16xf32>,
        %parallel_loop3A_185 = arith.index_cast %parallel_loop3A_175 : i32 to index
        %parallel_loop3A_186 = arith.constant 16 : index
        %parallel_loop3A_187 = tpu.vector_load %arg11[%parallel_loop3A_185, %parallel_loop3A_186] {strides = array<i32>} : memref<160x128xf32, #tpu.memory_space<vmem>>, vector<1x16xf32>,
        %parallel_loop3A_188 = vector.shape_cast %parallel_loop3A_187 : vector<1x16xf32> to vector<16xf32>
        %parallel_loop3A_189 = arith.index_cast %parallel_loop3A_175 : i32 to index
        %parallel_loop3A_190 = arith.constant 16 : index
        %parallel_loop3A_191 = tpu.vector_load %arg13[%parallel_loop3A_189, %parallel_loop3A_190] {strides = array<i32>} : memref<160x64xf32, #tpu.memory_space<vmem>>, vector<1x16xf32>,
        %parallel_loop3A_192 = vector.shape_cast %parallel_loop3A_191 : vector<1x16xf32> to vector<16xf32>
        %parallel_loop3A_193 = vector.shape_cast %parallel_loop3A_188 : vector<16xf32> to vector<1x16xf32>
        tpu.vector_store %arg13[%parallel_loop3A_189, %parallel_loop3A_190], %parallel_loop3A_193 {strides = array<i32>} : memref<160x64xf32, #tpu.memory_space<vmem>>, vector<1x16xf32>,
        %parallel_loop3A_194 = arith.index_cast %parallel_loop3A_175 : i32 to index
        %parallel_loop3A_195 = arith.constant 32 : index
        %parallel_loop3A_196 = tpu.vector_load %arg11[%parallel_loop3A_194, %parallel_loop3A_195] {strides = array<i32>} : memref<160x128xf32, #tpu.memory_space<vmem>>, vector<1x16xf32>,
        %parallel_loop3A_197 = vector.shape_cast %parallel_loop3A_196 : vector<1x16xf32> to vector<16xf32>
        %parallel_loop3A_198 = arith.index_cast %parallel_loop3A_175 : i32 to index
        %parallel_loop3A_199 = arith.constant 32 : index
        %parallel_loop3A_200 = tpu.vector_load %arg13[%parallel_loop3A_198, %parallel_loop3A_199] {strides = array<i32>} : memref<160x64xf32, #tpu.memory_space<vmem>>, vector<1x16xf32>,
        %parallel_loop3A_201 = vector.shape_cast %parallel_loop3A_200 : vector<1x16xf32> to vector<16xf32>
        %parallel_loop3A_202 = vector.shape_cast %parallel_loop3A_197 : vector<16xf32> to vector<1x16xf32>
        tpu.vector_store %arg13[%parallel_loop3A_198, %parallel_loop3A_199], %parallel_loop3A_202 {strides = array<i32>} : memref<160x64xf32, #tpu.memory_space<vmem>>, vector<1x16xf32>,
        %parallel_loop3A_203 = arith.index_cast %parallel_loop3A_175 : i32 to index
        %parallel_loop3A_204 = arith.constant 48 : index
        %parallel_loop3A_205 = tpu.vector_load %arg11[%parallel_loop3A_203, %parallel_loop3A_204] {strides = array<i32>} : memref<160x128xf32, #tpu.memory_space<vmem>>, vector<1x16xf32>,
        %parallel_loop3A_206 = vector.shape_cast %parallel_loop3A_205 : vector<1x16xf32> to vector<16xf32>
        %parallel_loop3A_207 = arith.index_cast %parallel_loop3A_175 : i32 to index
        %parallel_loop3A_208 = arith.constant 48 : index
        %parallel_loop3A_209 = tpu.vector_load %arg13[%parallel_loop3A_207, %parallel_loop3A_208] {strides = array<i32>} : memref<160x64xf32, #tpu.memory_space<vmem>>, vector<1x16xf32>,
        %parallel_loop3A_210 = vector.shape_cast %parallel_loop3A_209 : vector<1x16xf32> to vector<16xf32>
        %parallel_loop3A_211 = vector.shape_cast %parallel_loop3A_206 : vector<16xf32> to vector<1x16xf32>
        tpu.vector_store %arg13[%parallel_loop3A_207, %parallel_loop3A_208], %parallel_loop3A_211 {strides = array<i32>} : memref<160x64xf32, #tpu.memory_space<vmem>>, vector<1x16xf32>,
      } {sc.loop_unroll_factor = 4 : i64, sc.parallel_access}
      %mul3A_134 = arith.constant 160 : i32
      %mul3A_135 = arith.muli %add3A_108, %mul3A_134 : i32
      %add3A_136 = arith.addi %mul3A_2, %mul3A_135 : i32
      %dma_start3A_137 = arith.constant 0 : i32
      %dma_start3A_138 = tpu.memref_slice %arg4[%add3A_136, %dma_start3A_137] : memref<819200x64xf32, #tpu.memory_space<hbm>> -> memref<160x64xf32, #tpu.memory_space<hbm>>
      %dma_start3A_139 = arith.constant 0 : i32
      %dma_start3A_140 = tpu.memref_slice %arg4[%add3A_136, %dma_start3A_139] : memref<819200x64xf32, #tpu.memory_space<hbm>> -> memref<160x64xf32, #tpu.memory_space<hbm>>
      tpu.enqueue_dma source(%arg13 : memref<160x64xf32, #tpu.memory_space<vmem>>) target(%dma_start3A_140 : memref<160x64xf32, #tpu.memory_space<hbm>>) target_semaphore(%arg23 : memref<!tpu.dma_semaphore, #tpu.memory_space<semaphore_mem>>)
      %add3A_141 = arith.constant 3 : i32
      %add3A_142 = arith.addi %add3A_43, %add3A_141 : i32
      %dma_wait3A_143 = arith.constant 0 : i32
      %dma_wait3A_144 = arith.constant 0 : i32
      %dma_wait3A_145 = tpu.memref_slice %arg3[%dma_wait3A_143, %dma_wait3A_144] : memref<1000000x128xf32, #tpu.memory_space<hbm>> -> memref<1000000x128xf32, #tpu.memory_space<hbm>>
      tpu.wait_indirect_dma semaphore(%arg22 : memref<!tpu.dma_semaphore, #tpu.memory_space<semaphore_mem>>) src(%dma_wait3A_145 : memref<1000000x128xf32, #tpu.memory_space<hbm>>) dst(%arg12 : memref<160x128xf32, #tpu.memory_space<vmem>>)
      %add3A_146 = arith.constant 4 : i32
      %add3A_147 = arith.addi %add3A_142, %add3A_146 : i32
      %lt3A_148 = arith.constant 160 : i32
      %lt3A_149 = arith.cmpi slt, %add3A_147, %lt3A_148 : i32
      %convert_element_type3A_150 = arith.extui %lt3A_149 : i1 to i32
      %cond3A_151 = arith.constant 0 : i32
      %cond3A_152 = arith.cmpi ne, %convert_element_type3A_150, %cond3A_151 : i32
      scf.if %cond3A_152 {
        %add3A_175 = arith.constant 4 : i32
        %add3A_176 = arith.addi %add3A_142, %add3A_175 : i32
        %mul3A_177 = arith.constant 160 : i32
        %mul3A_178 = arith.muli %add3A_176, %mul3A_177 : i32
        %add3A_179 = arith.addi %mul3A_2, %mul3A_178 : i32
        %dma_start3A_180 = tpu.memref_slice %arg2[%add3A_179] : memref<819200xi32, #tpu.memory_space<hbm>> -> memref<160xi32, #tpu.memory_space<hbm>>
        %dma_start3A_181 = tpu.memref_slice %arg2[%add3A_179] : memref<819200xi32, #tpu.memory_space<hbm>> -> memref<160xi32, #tpu.memory_space<hbm>>
        tpu.enqueue_dma source(%dma_start3A_181 : memref<160xi32, #tpu.memory_space<hbm>>) target(%arg8 : memref<160xi32, #tpu.memory_space<vmem>>) target_semaphore(%arg18 : memref<!tpu.dma_semaphore, #tpu.memory_space<semaphore_mem>>)
      } else {
      }
      %add3A_153 = arith.constant 2 : i32
      %add3A_154 = arith.addi %add3A_142, %add3A_153 : i32
      %lt3A_155 = arith.constant 160 : i32
      %lt3A_156 = arith.cmpi slt, %add3A_154, %lt3A_155 : i32
      %convert_element_type3A_157 = arith.extui %lt3A_156 : i1 to i32
      %cond3A_158 = arith.constant 0 : i32
      %cond3A_159 = arith.cmpi ne, %convert_element_type3A_157, %cond3A_158 : i32
      scf.if %cond3A_159 {
        %dma_wait3A_175 = tpu.memref_slice %arg2[%mul3A_2] : memref<819200xi32, #tpu.memory_space<hbm>> -> memref<160xi32, #tpu.memory_space<hbm>>
        %dma_wait3A_176 = tpu.memref_slice %arg2[%mul3A_2] : memref<819200xi32, #tpu.memory_space<hbm>> -> memref<160xi32, #tpu.memory_space<hbm>>
        tpu.wait_dma2 semaphore(%arg16 : memref<!tpu.dma_semaphore, #tpu.memory_space<semaphore_mem>>) src(%dma_wait3A_176 : memref<160xi32, #tpu.memory_space<hbm>>) dst(%arg6 : memref<160xi32, #tpu.memory_space<vmem>>)
        %dma_start3A_177 = arith.constant 0 : i32
        %dma_start3A_178 = arith.constant 0 : i32
        %dma_start3A_179 = tpu.memref_slice %arg3[%dma_start3A_177, %dma_start3A_178] : memref<1000000x128xf32, #tpu.memory_space<hbm>> -> memref<1000000x128xf32, #tpu.memory_space<hbm>>
        tpu.enqueue_indirect_dma source(%dma_start3A_179 : memref<1000000x128xf32, #tpu.memory_space<hbm>>) target(%arg10 : memref<160x128xf32, #tpu.memory_space<vmem>>) offsets(%arg6 : memref<160xi32, #tpu.memory_space<vmem>>) semaphore(%arg20 : memref<!tpu.dma_semaphore, #tpu.memory_space<semaphore_mem>>)
      } else {
      }
      %ge3A_160 = arith.constant 2 : i32
      %ge3A_161 = arith.cmpi sge, %add3A_142, %ge3A_160 : i32
      %convert_element_type3A_162 = arith.extui %ge3A_161 : i1 to i32
      %cond3A_163 = arith.constant 0 : i32
      %cond3A_164 = arith.cmpi ne, %convert_element_type3A_162, %cond3A_163 : i32
      scf.if %cond3A_164 {
        %dma_wait3A_175 = arith.constant 0 : i32
        %dma_wait3A_176 = tpu.memref_slice %arg4[%mul3A_2, %dma_wait3A_175] : memref<819200x64xf32, #tpu.memory_space<hbm>> -> memref<160x64xf32, #tpu.memory_space<hbm>>
        %dma_wait3A_177 = arith.constant 0 : i32
        %dma_wait3A_178 = tpu.memref_slice %arg4[%mul3A_2, %dma_wait3A_177] : memref<819200x64xf32, #tpu.memory_space<hbm>> -> memref<160x64xf32, #tpu.memory_space<hbm>>
        tpu.wait_dma2 semaphore(%arg24 : memref<!tpu.dma_semaphore, #tpu.memory_space<semaphore_mem>>) src(%arg14 : memref<160x64xf32, #tpu.memory_space<vmem>>) dst(%dma_wait3A_178 : memref<160x64xf32, #tpu.memory_space<hbm>>)
      } else {
      }
      %parallel_loop3A_165 = arith.constant 0 : i32
      %parallel_loop3A_166 = arith.constant 160 : i32
      %parallel_loop3A_167 = arith.constant 1 : i32
      scf.for %parallel_loop3A_175 = %parallel_loop3A_165 to %parallel_loop3A_166 step %parallel_loop3A_167  : i32 {
        %parallel_loop3A_176 = arith.index_cast %parallel_loop3A_175 : i32 to index
        %parallel_loop3A_177 = arith.constant 0 : index
        %parallel_loop3A_178 = tpu.vector_load %arg12[%parallel_loop3A_176, %parallel_loop3A_177] {strides = array<i32>} : memref<160x128xf32, #tpu.memory_space<vmem>>, vector<1x16xf32>,
        %parallel_loop3A_179 = vector.shape_cast %parallel_loop3A_178 : vector<1x16xf32> to vector<16xf32>
        %parallel_loop3A_180 = arith.index_cast %parallel_loop3A_175 : i32 to index
        %parallel_loop3A_181 = arith.constant 0 : index
        %parallel_loop3A_182 = tpu.vector_load %arg14[%parallel_loop3A_180, %parallel_loop3A_181] {strides = array<i32>} : memref<160x64xf32, #tpu.memory_space<vmem>>, vector<1x16xf32>,
        %parallel_loop3A_183 = vector.shape_cast %parallel_loop3A_182 : vector<1x16xf32> to vector<16xf32>
        %parallel_loop3A_184 = vector.shape_cast %parallel_loop3A_179 : vector<16xf32> to vector<1x16xf32>
        tpu.vector_store %arg14[%parallel_loop3A_180, %parallel_loop3A_181], %parallel_loop3A_184 {strides = array<i32>} : memref<160x64xf32, #tpu.memory_space<vmem>>, vector<1x16xf32>,
        %parallel_loop3A_185 = arith.index_cast %parallel_loop3A_175 : i32 to index
        %parallel_loop3A_186 = arith.constant 16 : index
        %parallel_loop3A_187 = tpu.vector_load %arg12[%parallel_loop3A_185, %parallel_loop3A_186] {strides = array<i32>} : memref<160x128xf32, #tpu.memory_space<vmem>>, vector<1x16xf32>,
        %parallel_loop3A_188 = vector.shape_cast %parallel_loop3A_187 : vector<1x16xf32> to vector<16xf32>
        %parallel_loop3A_189 = arith.index_cast %parallel_loop3A_175 : i32 to index
        %parallel_loop3A_190 = arith.constant 16 : index
        %parallel_loop3A_191 = tpu.vector_load %arg14[%parallel_loop3A_189, %parallel_loop3A_190] {strides = array<i32>} : memref<160x64xf32, #tpu.memory_space<vmem>>, vector<1x16xf32>,
        %parallel_loop3A_192 = vector.shape_cast %parallel_loop3A_191 : vector<1x16xf32> to vector<16xf32>
        %parallel_loop3A_193 = vector.shape_cast %parallel_loop3A_188 : vector<16xf32> to vector<1x16xf32>
        tpu.vector_store %arg14[%parallel_loop3A_189, %parallel_loop3A_190], %parallel_loop3A_193 {strides = array<i32>} : memref<160x64xf32, #tpu.memory_space<vmem>>, vector<1x16xf32>,
        %parallel_loop3A_194 = arith.index_cast %parallel_loop3A_175 : i32 to index
        %parallel_loop3A_195 = arith.constant 32 : index
        %parallel_loop3A_196 = tpu.vector_load %arg12[%parallel_loop3A_194, %parallel_loop3A_195] {strides = array<i32>} : memref<160x128xf32, #tpu.memory_space<vmem>>, vector<1x16xf32>,
        %parallel_loop3A_197 = vector.shape_cast %parallel_loop3A_196 : vector<1x16xf32> to vector<16xf32>
        %parallel_loop3A_198 = arith.index_cast %parallel_loop3A_175 : i32 to index
        %parallel_loop3A_199 = arith.constant 32 : index
        %parallel_loop3A_200 = tpu.vector_load %arg14[%parallel_loop3A_198, %parallel_loop3A_199] {strides = array<i32>} : memref<160x64xf32, #tpu.memory_space<vmem>>, vector<1x16xf32>,
        %parallel_loop3A_201 = vector.shape_cast %parallel_loop3A_200 : vector<1x16xf32> to vector<16xf32>
        %parallel_loop3A_202 = vector.shape_cast %parallel_loop3A_197 : vector<16xf32> to vector<1x16xf32>
        tpu.vector_store %arg14[%parallel_loop3A_198, %parallel_loop3A_199], %parallel_loop3A_202 {strides = array<i32>} : memref<160x64xf32, #tpu.memory_space<vmem>>, vector<1x16xf32>,
        %parallel_loop3A_203 = arith.index_cast %parallel_loop3A_175 : i32 to index
        %parallel_loop3A_204 = arith.constant 48 : index
        %parallel_loop3A_205 = tpu.vector_load %arg12[%parallel_loop3A_203, %parallel_loop3A_204] {strides = array<i32>} : memref<160x128xf32, #tpu.memory_space<vmem>>, vector<1x16xf32>,
        %parallel_loop3A_206 = vector.shape_cast %parallel_loop3A_205 : vector<1x16xf32> to vector<16xf32>
        %parallel_loop3A_207 = arith.index_cast %parallel_loop3A_175 : i32 to index
        %parallel_loop3A_208 = arith.constant 48 : index
        %parallel_loop3A_209 = tpu.vector_load %arg14[%parallel_loop3A_207, %parallel_loop3A_208] {strides = array<i32>} : memref<160x64xf32, #tpu.memory_space<vmem>>, vector<1x16xf32>,
        %parallel_loop3A_210 = vector.shape_cast %parallel_loop3A_209 : vector<1x16xf32> to vector<16xf32>
        %parallel_loop3A_211 = vector.shape_cast %parallel_loop3A_206 : vector<16xf32> to vector<1x16xf32>
        tpu.vector_store %arg14[%parallel_loop3A_207, %parallel_loop3A_208], %parallel_loop3A_211 {strides = array<i32>} : memref<160x64xf32, #tpu.memory_space<vmem>>, vector<1x16xf32>,
      } {sc.loop_unroll_factor = 4 : i64, sc.parallel_access}
      %mul3A_168 = arith.constant 160 : i32
      %mul3A_169 = arith.muli %add3A_142, %mul3A_168 : i32
      %add3A_170 = arith.addi %mul3A_2, %mul3A_169 : i32
      %dma_start3A_171 = arith.constant 0 : i32
      %dma_start3A_172 = tpu.memref_slice %arg4[%add3A_170, %dma_start3A_171] : memref<819200x64xf32, #tpu.memory_space<hbm>> -> memref<160x64xf32, #tpu.memory_space<hbm>>
      %dma_start3A_173 = arith.constant 0 : i32
      %dma_start3A_174 = tpu.memref_slice %arg4[%add3A_170, %dma_start3A_173] : memref<819200x64xf32, #tpu.memory_space<hbm>> -> memref<160x64xf32, #tpu.memory_space<hbm>>
      tpu.enqueue_dma source(%arg14 : memref<160x64xf32, #tpu.memory_space<vmem>>) target(%dma_start3A_174 : memref<160x64xf32, #tpu.memory_space<hbm>>) target_semaphore(%arg24 : memref<!tpu.dma_semaphore, #tpu.memory_space<semaphore_mem>>)
    }
    %scan3A_30 = arith.constant 40 : i32
    %dma_wait3A_31 = arith.constant 0 : i32
    %dma_wait3A_32 = tpu.memref_slice %arg4[%mul3A_2, %dma_wait3A_31] : memref<819200x64xf32, #tpu.memory_space<hbm>> -> memref<160x64xf32, #tpu.memory_space<hbm>>
    %dma_wait3A_33 = arith.constant 0 : i32
    %dma_wait3A_34 = tpu.memref_slice %arg4[%mul3A_2, %dma_wait3A_33] : memref<819200x64xf32, #tpu.memory_space<hbm>> -> memref<160x64xf32, #tpu.memory_space<hbm>>
    tpu.wait_dma2 semaphore(%arg23 : memref<!tpu.dma_semaphore, #tpu.memory_space<semaphore_mem>>) src(%arg13 : memref<160x64xf32, #tpu.memory_space<vmem>>) dst(%dma_wait3A_34 : memref<160x64xf32, #tpu.memory_space<hbm>>)
    %dma_wait3A_35 = arith.constant 0 : i32
    %dma_wait3A_36 = tpu.memref_slice %arg4[%mul3A_2, %dma_wait3A_35] : memref<819200x64xf32, #tpu.memory_space<hbm>> -> memref<160x64xf32, #tpu.memory_space<hbm>>
    %dma_wait3A_37 = arith.constant 0 : i32
    %dma_wait3A_38 = tpu.memref_slice %arg4[%mul3A_2, %dma_wait3A_37] : memref<819200x64xf32, #tpu.memory_space<hbm>> -> memref<160x64xf32, #tpu.memory_space<hbm>>
    tpu.wait_dma2 semaphore(%arg24 : memref<!tpu.dma_semaphore, #tpu.memory_space<semaphore_mem>>) src(%arg14 : memref<160x64xf32, #tpu.memory_space<vmem>>) dst(%dma_wait3A_38 : memref<160x64xf32, #tpu.memory_space<hbm>>)
    return
  }
}

module attributes {stable_mosaic.version = 14 : i64} {
  func.func @_tc_transpose_kernel(%arg0: i32, %arg1: memref<64x8192xf32, #tpu.memory_space<vmem>>, %arg2: memref<8192x128xf32, #tpu.memory_space<vmem>>) attributes {dimension_semantics = [#tpu.dimension_semantics<arbitrary>], iteration_bounds = array<i64: 123>, scalar_prefetch = 0 : i64, scratch_operands = 0 : i64, tpu.core_type = #tpu.core_type<tc>, window_params = [{transform_indices = @transform_0, window_bounds = array<i64: 64, 8192>}, {transform_indices = @transform_1, window_bounds = array<i64: 8192, 128>}]} {
    %get3A = arith.constant 0 : index
    %get3A_0 = arith.constant 0 : index
    %get3A_1 = vector.load %arg1[%get3A, %get3A_0] : memref<64x8192xf32, #tpu.memory_space<vmem>>, vector<64x8192xf32>
    %mul3A = arith.constant 8.000000e+00 : f32
    %mul3A_2 = vector.broadcast %mul3A : f32 to vector<64x8192xf32>
    %mul3A_3 = arith.mulf %get3A_1, %mul3A_2 : vector<64x8192xf32>
    %transpose3A = tpu.transpose %mul3A_3, [1, 0] : vector<64x8192xf32> -> vector<8192x64xf32>
    %swap3A = arith.constant 0 : index
    %swap3A_4 = arith.constant 0 : index
    %swap3A_5 = vector.load %arg2[%swap3A, %swap3A_4] : memref<8192x128xf32, #tpu.memory_space<vmem>>, vector<8192x64xf32>
    tpu.vector_store %arg2[%swap3A, %swap3A_4], %transpose3A {strides = array<i32>} : memref<8192x128xf32, #tpu.memory_space<vmem>>, vector<8192x64xf32>,
    return
  }
  func.func @transform_0(%arg0: i32) -> (i32, i32) {
    %c0_i32 = arith.constant 0 : i32
    %c0_i32_0 = arith.constant 0 : i32
    return %c0_i32, %arg0 : i32, i32
  }
  func.func @transform_1(%arg0: i32) -> (i32, i32) {
    %c0_i32 = arith.constant 0 : i32
    %c0_i32_0 = arith.constant 0 : i32
    return %arg0, %c0_i32 : i32, i32
  }
}

</mosaic_0001>

<sc_bundles>
// kernel: kernel.4.cloned.1.call-start
scs
__scs_entry_jumppad:
0x0: {  	(pc) =	sbr.rel $0x88, $3  }
0x1: {  	(tag) =	ssettag $0x0;
	lr =	simm.s32 $0x1  }
0x2: {  	[smem:$0x3F9F] =	sst lr;
	_ =	strace $0xD0000000  }
0x3: {  	_ = 	snop  }
0x4: {  	_ = 	snop  }
0x5: {  	_ = 	snop  }
0x6: {  	_ = 	snop  }
0x7: {  	_ = 	snop  }
__scs_overlays_trampoline_lowered:
0x8: {  	[smem:$0x3FAE] =	sst s0  }
0x9: {  	[smem:$0x3FAF] =	sst s1  }
0xa: {  	[smem:$0x3FB0] =	sst s2  }
0xb: {  	[smem:$0x3FB1] =	sst s3  }
0xc: {  	[smem:$0x3FB2] =	sst s4  }
0xd: {  	[smem:$0x3FB3] =	sst s5  }
0xe: {  	[smem:$0x3FB4] =	sst s6  }
0xf: {  	[smem:$0x3FB5] =	sst s7  }
0x10: {  	[smem:$0x3FB6] =	sst s8  }
0x11: {  	[smem:$0x3FB7] =	sst s9;
	s0 =	simm.s32 @!p0 $0x0  }
0x12: {  	s1 =	sld [smem:$0x3F9D];
	s0 =	simm.s32 @p0 $0x1  }
0x13: {  	[smem:$0x3FB8] =	sst s0;
	s0 =	simm.s32 @!p1 $0x0  }
0x14: {  	s2 =	sld [smem:$0x3F9C];
	s0 =	simm.s32 @p1 $0x1  }
0x15: {  	[smem:$0x3FB9] =	sst s0;
	s0 =	simm.s32 @!p2 $0x0  }
0x16: {  	s3 =	sld [smem:$0x3FDB];
	s0 =	simm.s32 @p2 $0x1  }
0x17: {  	s4 =	simm.s32 $0x1BF5;
	[smem:$0x3FBB] =	sst s0  }
0x18: {  	s0 =	sld [smem:$0x3F9E];
	_ =	swait.ge [sflag:s4], $0x0  }
0x19: {  	s7 =	sld [smem:$0x3F9F]  }
0x1a: {  	s8 =	sadd.s32 $0xFFFFE003, lr  }
0x1b: {  	s9 =	sadd.s32 $0xFFFFFEF7, lr;
	s5 =	simm.s32 $0xFFFFFFFF;
	p2 =	slt.u32 s8, $0xFFFFF086  }
0x1c: {  	p1 =	slt.u32 s9, $0xF7A;
	s5 =	simm.s32 @!p2 $0x0  }
0x1d: {  	s5 =	simm.s32 @p1 $0x1;
	p0 =	seq.s32 s7, s2  }
0x1e: {  	s7 =	smul.u32 @!p0 $0xF7A, s2;
	p2 =	seq.s32 @!p0 s5, $0x0  }
0x1f: {  	s9 =	smul.u32 $0xF7A, s1;
	s8 =	simm.s32 @!p0 $0x1BF5;
	p2 =	por !p2, p0  }
0x20: {  	[sflag:s8] =	ssyncset.s32 @!p0 $0xFFFFF086;
	s6 =	sadd.s32 @!p0 s3, s7;
	s7 =	simm.s32 @!p0 $0x108  }
0x21: {  	s3 =	sadd.s32 s3, s9;
	s6 =	sadd.s32 @!p0 $0x88, s6;
	s7 =	simm.s32 @p2 $0x1082  }
0x22: {  	[simem:s7], [sflag:s8] =	dma.local @!p0 [hbm:s6], $0xF7A  }
0x23: {  	s9 =	sor.u32 $0xD0000000, s2;
	s6 =	simm.s32 $0x108;
	_ =	swait.ge @!p0 [sflag:s8], $0x0  }
0x24: {  	s3 =	sadd.s32 $0x88, s3;
	s6 =	simm.s32 @!p1 $0x1082;
	[sflag:s4] =	ssyncset.s32 $0xFFFFF086  }
0x25: {  	[simem:s6], [sflag:s4] =	dma.local [hbm:s3], $0xF7A  }
0x26: {  	[smem:$0x3F9F] =	sst s1;
	(tag) =	ssettag s2;
	_ =	strace s9  }
0x27: {  	s1 =	sld [smem:$0x3FAF]  }
0x28: {  	s2 =	sld [smem:$0x3FB0]  }
0x29: {  	s4 =	sld [smem:$0x3FB2]  }
0x2a: {  	p0 =	seq.s32 s5, $0x0;
	s5 =	sld [smem:$0x3FB3]  }
0x2b: {  	s6 =	sld [smem:$0x3FB4]  }
0x2c: {  	s7 =	sld [smem:$0x3FB5]  }
0x2d: {  	s3 =	simm.s32 $0x108;
	s8 =	sld [smem:$0x3FB6]  }
0x2e: {  	s3 =	simm.s32 @!p0 $0x1082;
	s9 =	sld [smem:$0x3FB7]  }
0x2f: {  	lr =	sadd.s32 s0, s3;
	s0 =	sld [smem:$0x3FAE]  }
0x30: {  	s3 =	sld [smem:$0x3FB1]  }
0x31: {  	[smem:$0x3FBA] =	sst s10  }
0x32: {  	s10 =	sld [smem:$0x3FB8];
	_ =	sdelay $0x3  }
0x33: {  	p0 =	seq.s32 s10, $0x1;
	s10 =	sld [smem:$0x3FBA];
	_ =	sdelay $0x3  }
0x34: {  	[smem:$0x3FBA] =	sst s10  }
0x35: {  	s10 =	sld [smem:$0x3FB9];
	_ =	sdelay $0x3  }
0x36: {  	p1 =	seq.s32 s10, $0x1;
	s10 =	sld [smem:$0x3FBA];
	_ =	sdelay $0x3  }
0x37: {  	[smem:$0x3FBA] =	sst s10  }
0x38: {  	s10 =	sld [smem:$0x3FBB]  }
0x39: {  	_ = 	snop;
	(pc) =	sbr.ind lr, $3  }
0x3a: {  	_ = 	snop  }
0x3b: {  	_ = 	snop  }
0x3c: {  	p2 =	seq.s32 s10, $0x1;
	s10 =	sld [smem:$0x3FBA]  }
0x3d: {  	_ =	shalt  }
0x3e: {  	_ =	shalt  }
0x3f: {  	_ =	shalt  }
0x40: {  	_ =	shalt  }
0x41: {  	_ =	shalt  }
0x42: {  	_ =	shalt  }
0x43: {  	_ =	shalt  }
0x44: {  	_ =	shalt  }
0x45: {  	_ =	shalt  }
0x46: {  	_ =	shalt  }
0x47: {  	_ =	shalt  }
0x48: {  	_ =	shalt  }
0x49: {  	_ =	shalt  }
0x4a: {  	_ =	shalt  }
0x4b: {  	_ =	shalt  }
0x4c: {  	_ =	shalt  }
0x4d: {  	_ =	shalt  }
0x4e: {  	_ =	shalt  }
0x4f: {  	_ =	shalt  }
0x50: {  	_ =	shalt  }
0x51: {  	_ =	shalt  }
0x52: {  	_ =	shalt  }
0x53: {  	_ =	shalt  }
0x54: {  	_ =	shalt  }
0x55: {  	_ =	shalt  }
0x56: {  	_ =	shalt  }
0x57: {  	_ =	shalt  }
0x58: {  	_ =	shalt  }
0x59: {  	_ =	shalt  }
0x5a: {  	_ =	shalt  }
0x5b: {  	_ =	shalt  }
0x5c: {  	_ =	shalt  }
0x5d: {  	_ =	shalt  }
0x5e: {  	_ =	shalt  }
0x5f: {  	_ =	shalt  }
0x60: {  	_ =	shalt  }
0x61: {  	_ =	shalt  }
0x62: {  	_ =	shalt  }
0x63: {  	_ =	shalt  }
0x64: {  	_ =	shalt  }
0x65: {  	_ =	shalt  }
0x66: {  	_ =	shalt  }
0x67: {  	_ =	shalt  }
0x68: {  	_ =	shalt  }
0x69: {  	_ =	shalt  }
0x6a: {  	_ =	shalt  }
0x6b: {  	_ =	shalt  }
0x6c: {  	_ =	shalt  }
0x6d: {  	_ =	shalt  }
0x6e: {  	_ =	shalt  }
0x6f: {  	_ =	shalt  }
0x70: {  	_ =	shalt  }
0x71: {  	_ =	shalt  }
0x72: {  	_ =	shalt  }
0x73: {  	_ =	shalt  }
0x74: {  	_ =	shalt  }
0x75: {  	_ =	shalt  }
0x76: {  	_ =	shalt  }
0x77: {  	_ =	shalt  }
0x78: {  	_ =	shalt  }
0x79: {  	_ =	shalt  }
0x7a: {  	_ =	shalt  }
0x7b: {  	_ =	shalt  }
0x7c: {  	_ =	shalt  }
0x7d: {  	_ =	shalt  }
0x7e: {  	_ =	shalt  }
0x7f: {  	_ =	shalt  }
0x80: {  	_ =	shalt  }
0x81: {  	_ =	shalt  }
0x82: {  	_ =	shalt  }
0x83: {  	_ =	shalt  }
0x84: {  	_ =	shalt  }
0x85: {  	_ =	shalt  }
0x86: {  	_ =	shalt  }
0x87: {  	_ =	shalt  }
.Lfunc_end0:
.L_simem_size_0:
called_computation.1_lowered:
.L_overlay_start_0:
0x88: {  	s2 =	sld [smem:$0x3FD9]  }
0x89: {  	s3 =	sld [smem:$0x3FFE];
	_ =	sdelay $0x1  }
0x8a: {  	s1 =	srdreg.scid  }
0x8b: {  	s0 =	sand.u32 $0x1, s1  }
0x8c: {  	s17 =	sshll.u32 s0, $0xA;
	s2 =	sadd.s32 s3, s2  }
0x8d: {  	s2 =	sadd.s32 s2, s17  }
0x8e: {  	[smem:$0x3FC6] =	sst s2  }
0x8f: {  	_ = 	snop  }
0x90: {  	s2 =	sld [smem:$0x3FD0];
	(tm) =	ssettm $0x1  }
0x91: {  	s18 =	sld [smem:$0x3FFB];
	_ =	sdelay $0x3  }
0x92: {  	_ =	strace s18  }
0x93: {  	s3 =	sld [smem:$0x3FFC];
	_ =	sdelay $0x3  }
0x94: {  	_ =	strace s3  }
0x95: {  	s3 =	sld [smem:$0x3FFD];
	_ =	sdelay $0x3  }
0x96: {  	_ =	strace s3  }
0x97: {  	_ =	strace $0x8FFFFFFF  }
0x98: {  	s19 =	sld [smem:$0x3FDB];
	_ =	sdelay $0x1  }
0x99: {  	s4 =	simm.s32 $_scs_section_size  }
0x9a: {  	s5 =	simm.s32 $_size__tile_overlayer_lowered;
	s6 =	simm.s32 $_tile_overlayer_lowered  }
0x9b: {  	s22 =	simm.s32 $0x1BFF;
	s21 =	sshll.u32 s6, $0x1;
	s3 =	sadd.s32 s4, s19  }
0x9c: {  	s7 =	simm.s32 $0x0;
	s20 =	sshll.u32 s5, $0x1;
	s5 =	sadd.s32 s21, s3  }
0x9d: {  	[timem:s7], [sflag:s22] =	dma.local [hbm:s5], s20  }
0x9e: {  	_ =	swait.ge [sflag:s22], s20  }
0x9f: {  	s4 =	ssub.s32 $0x0, s20;
	[sflag:s22] =	ssyncset.done $0x0  }
0xa0: {  	[sflag:s22] =	ssyncadd.s32 s4;
	_ =	sdelay $0x1  }
0xa1: {  	s23 =	simm.s32 $0x1B8B  }
0xa2: {  	_ =	swait.ge [sflag:s23], $0x1  }
0xa3: {  	[sflag:s23] =	ssyncset.done $0x0  }
0xa4: {  	s25 =	simm.s32 $0x1B8E;
	s24 =	sld [smem:$0x3FFE];
	[sflag:s23] =	ssyncadd.s32 $0xFFFFFFFF  }
0xa5: {  	s26 =	simm.s32 $execute0_lowered;
	[smem:$0x3FD2] =	sst s25  }
0xa6: {  	s5 =	sshll.u32 s26, $0x1;
	_ =	strace $0x80000046;
	[dreg:$0x1] =	wrdreg $0xFFFFFFFF  }
0xa7: {  	s28 =	simm.s32 $_size_execute0_lowered;
	s3 =	sadd.s32 s3, s5;
	[dreg:$0x0] =	wrdreg $0x0  }
0xa8: {  	s5 =	sshll.u32 s28, $0x1;
	[dreg:$0x2] =	wrdreg s3  }
0xa9: {  	[dreg:$0x3] =	wrdreg s5  }
0xaa: {  	[dreg:$0x4] =	wrdreg $0xC0  }
0xab: {  	_ =	task [dreg:s7], $0x5FFFF  }
0xac: {  	[dreg:$0x1] =	wrdreg $0xFFFFFFFF  }
0xad: {  	[dreg:$0x0] =	wrdreg $0x60  }
0xae: {  	[dreg:$0x2] =	wrdreg s2  }
0xaf: {  	[dreg:$0x3] =	wrdreg s24  }
0xb0: {  	[dreg:$0x4] =	wrdreg $0x9  }
0xb1: {  	_ =	task.clear_ibuf [dreg:s7], $0x5FFFF;
	_ =	strace $0x90000046  }
0xb2: {  	s29 =	simm.s32 $0x9;
	_ =	strace $0x80000048  }
0xb3: {  	_ =	swait.ge [sflag:s29], $0x1  }
0xb4: {  	[sflag:s29] =	ssyncadd.s32 $0xFFFFFFFF  }
0xb5: {  	_ =	strace $0x90000048  }
0xb6: {  	_ =	sfence  }
0xb7: {  	s30 =	sld [smem:$0x0];
	_ =	sdelay $0x2  }
0xb8: {  	s31 =	sshll.u32 s1, $0xD;
	s1 =	sshrl.u32 s1, $0x2  }
0xb9: {  	s3 =	sand.u32 $0x4000, s31;
	s1 =	sadd.s32 s1, s30  }
0xba: {  	s0 =	sor.u32 s3, s0;
	s1 =	sshll.u32 s1, $0x11  }
0xbb: {  	s0 =	sor.u32 s1, s0  }
0xbc: {  	s0 =	sadd.s32 $0x8F2B, s0  }
0xbd: {  	[sflag:s0] =	ssyncadd.remote.s32 $0x1  }
0xbe: {  	_ =	sfence.sel $0xFFFF  }
0xbf: {  	[dreg:$0x0] =	wrdreg $0xFFFFFFFF;
	(pc) =	sbr.abs _section_cstart, $3  }
0xc0: {  	[dreg:$0x1] =	wrdreg $0xFFFFFFFF  }
0xc1: {  	_ =	task.clear_ibuf [dreg:s7], $0x2FFFF;
	_ =	strace $0x9FFFFFFF  }
0xc2: {  	(tm) =	ssettm $0x7FFFFFFF  }
0xc3: {  	_ =	shalt  }
tec
execute0_lowered:
.L_overlay_start_1:
0x0: {  	(tag) =	ssettag $0x1  }
0x1: {  	s2 =	rddreg [dreg:$0x0];
	s0 =	srdreg.scid  }
0x2: {  	s3 =	stileid.u32;
	s1 =	rddreg [dreg:$0x1];
	s21 =	simm.s32 $0x300  }
0x3: {  	s23 =	simm.s32 $0xA0;
	s28 =	simm.s32 $0x5;
	s29 =	simm.s32 $0x3  }
0x4: {  	s31 =	simm.s32 $0x14400;
	s8 =	simm.s32 $0x7;
	s19 =	simm.s32 $0x9  }
0x5: {  	s9 =	simm.s32 $0x8;
	s10 =	simm.s32 $0xA;
	s18 =	simm.s32 $0x0  }
0x6: {  	s0 =	sand.u32 $0x1, s0;
	s4 =	sshll.u32 s3, $0x1;
	s3 =	simm.s32 $0x0  }
0x7: {  	s5 =	sadd.s32 $0x800, s1;
	s6 =	sadd.s32 $0xF42C00, s1;
	s4 =	sor.u32 s0, s4  }
0x8: {  	[smem:$0x7FF] =	sst s3;
	s0 =	ssub.s32 $0x2, s0;
	s4 =	smul.u32 $0x6400, s4  }
0x9: {  	s1 =	simm.s32 $0x6;
	_ =	strace $0x80000047;
	s24 =	sshrl.u32 s0, $0x1  }
0xa: {  	s0 =	ssub.s32 s0, s24;
	s7 =	sshrl.u32 s4, $0x3;
	s11 =	sor.u32 $0x280, s4  }
0xb: {  	s12 =	sor.u32 $0x320, s4;
	s13 =	sor.u32 $0xA0, s4;
	s0 =	smax.u32 s0, $0x1  }
0xc: {  	s14 =	sor.u32 $0x3C0, s4;
	s7 =	sadd.s32 s2, s7;
	[dreg:$0x7] =	wrdreg s0  }
0xd: {  	s15 =	sor.u32 $0x140, s4;
	s25 =	sadd.s32 $0x14, s7;
	[dreg:$0x3] =	wrdreg s7  }
0xe: {  	s16 =	sadd.s32 $0x460, s4;
	s26 =	sadd.s32 $0x28, s7;
	[dreg:$0x4] =	wrdreg s25  }
0xf: {  	s17 =	sor.u32 $0x1E0, s4;
	s30 =	sadd.s32 $0x3C, s7;
	[dreg:$0x5] =	wrdreg s26  }
0x10: {  	s0 =	simm.s32 $0x4;
	[dreg:$0x6] =	wrdreg s30;
	s26 =	simm.s32 $0x19400  }
.LBB2_1:
0x11: {  	[dreg:$0x8] =	wrdreg s18  }
0x12: {  	s7 =	rddreg [dreg:$0x3]  }
0x13: {  	[tilespmem:s3], [sflag:$0x1] =	stream.linear.gather [hbm4b:s7+s3], $0xA0, $0x38;
	[tilespmem:$0x1E400] =	vst v63  }
0x14: {  	s25 =	rddreg [dreg:$0x4];
	s18 =	simm.s32 $0x100  }
0x15: {  	[tilespmem:s18], [sflag:$0x2] =	stream.linear.gather [hbm4b:s25+s3], $0xA0, $0x38;
	[tilespmem:$0x1E400] =	vst v63  }
0x16: {  	s30 =	rddreg [dreg:$0x5];
	s20 =	simm.s32 $0x200  }
0x17: {  	[tilespmem:s20], [sflag:$0x3] =	stream.linear.gather [hbm4b:s30+s3], $0xA0, $0x38;
	[tilespmem:$0x1E400] =	vst v63  }
0x18: {  	s22 =	simm.s32 $0x1;
	s20 =	rddreg [dreg:$0x6]  }
0x19: {  	[tilespmem:s21], [sflag:$0x4] =	stream.linear.gather [hbm4b:s20+s3], $0xA0, $0x38;
	[tilespmem:$0x1E400] =	vst v63  }
0x1a: {  	_ =	swait.ge [sflag:s22], $0xA0  }
0x1b: {  	[sflag:s22] =	ssyncset.done $0x0  }
0x1c: {  	s24 =	simm.s32 $0x400;
	s25 =	simm.s32 $0x2;
	[sflag:s22] =	ssyncadd.s32 $0xFFFFFF60  }
0x1d: {  	[tilespmem:s24], [sflag:$0x5] =	stream.indirect.gather [hbm4b:s5+s23], $0x80, s3, s23, $0xb8;
	[tilespmem:$0x1E400] =	vst v63  }
0x1e: {  	_ =	swait.ge [sflag:s25], $0xA0  }
0x1f: {  	[sflag:s25] =	ssyncset.done $0x0  }
0x20: {  	s7 =	simm.s32 $0x0;
	s30 =	simm.s32 $0x5400;
	[sflag:s25] =	ssyncadd.s32 $0xFFFFFF60  }
0x21: {  	[tilespmem:s30], [sflag:$0x6] =	stream.indirect.gather [hbm4b:s5+s23], $0x80, s18, s23, $0xb8;
	[tilespmem:$0x1E400] =	vst v63  }
.LBB2_2:
0x22: {  	p0 =	seq.s32 s7, $0x27  }
0x23: {  	s18 =	smul.u32 @!p0 $0x280, s7;
	_ =	sdelay $0x1  }
0x24: {  	_ =	swait.ge [sflag:s28], $0x5000;
	s18 =	sadd.s32 @!p0 s18, s11  }
0x25: {  	[sflag:s28] =	ssyncset.done $0x0;
	s18 =	sshrl.u32 @!p0 s18, $0x3  }
0x26: {  	s20 =	simm.s32 @!p0 $0x0;
	[sflag:s28] =	ssyncadd.s32 $0xFFFFB000;
	s18 =	sadd.s32 @!p0 s2, s18  }
0x27: {  	[tilespmem:s20], [sflag:$0x1] =	stream.linear.gather @!p0 [hbm4b:s18+s20], $0xA0, $0x38;
	[tilespmem:$0x1E400] =	vst v63  }
0x28: {  	_ =	swait.ge [sflag:s29], $0xA0  }
0x29: {  	s22 =	simm.s32 $0xA400;
	p1 =	seq.s32 s7, $0x0;
	[sflag:s29] =	ssyncset.done $0x0  }
0x2a: {  	s20 =	simm.s32 $0x200;
	s18 =	simm.s32 @!p1 $0x9;
	[sflag:s29] =	ssyncadd.s32 $0xFFFFFF60  }
0x2b: {  	[tilespmem:s22], [sflag:$0x7] =	stream.indirect.gather [hbm4b:s5+s23], $0x80, s20, s23, $0xb8;
	[tilespmem:$0x1E400] =	vst v63  }
0x2c: {  	_ =	swait.ge @!p1 [sflag:s18], $0x5000  }
0x2d: {  	[sflag:s18] =	ssyncset.done @!p1 $0x0  }
0x2e: {  	s24 =	simm.s32 $0x500;
	[sflag:s18] =	ssyncadd.s32 @!p1 $0xFFFFB000  }
0x2f: {  	v1 =	vld [tilespmem:s24+$0xFFFFFF80]  }
0x30: {  	v0 =	vld [tilespmem:s24+$0x80]  }
0x31: {  	v2 =	vld [tilespmem:s24+$0x0];
	_ =	sdelay $0x1  }
0x32: {  	s22 =	simm.s32 $0x14500  }
0x33: {  	v3 =	vld [tilespmem:s24+$0xFFFFFF00];
	[tilespmem:s22+$0xFFFFFF80] =	vst v1  }
0x34: {  	[tilespmem:s22+$0x80] =	vst v0;
	v1 =	vld [tilespmem:s24+$0xFFFFFF90]  }
0x35: {  	[tilespmem:s22+$0x0] =	vst v2;
	v0 =	vld [tilespmem:s24+$0x90]  }
0x36: {  	v2 =	vld [tilespmem:s24+$0x10]  }
0x37: {  	s25 =	simm.s32 $0x700  }
0x38: {  	v4 =	vld [tilespmem:s25+$0x80];
	[tilespmem:s22+$0xFFFFFF00] =	vst v3  }
0x39: {  	v3 =	vld [tilespmem:s24+$0xFFFFFF10];
	[tilespmem:s22+$0xFFFFFF90] =	vst v1  }
0x3a: {  	[tilespmem:s22+$0x90] =	vst v0;
	v1 =	vld [tilespmem:s24+$0xFFFFFFA0]  }
0x3b: {  	[tilespmem:s22+$0x10] =	vst v2;
	v0 =	vld [tilespmem:s24+$0xA0]  }
0x3c: {  	s18 =	simm.s32 $0x14700;
	v2 =	vld [tilespmem:s24+$0x20]  }
0x3d: {  	v5 =	vld [tilespmem:s25+$0xFFFFFF80];
	[tilespmem:s18+$0x80] =	vst v4  }
0x3e: {  	v4 =	vld [tilespmem:s25+$0x90];
	[tilespmem:s22+$0xFFFFFF10] =	vst v3  }
0x3f: {  	[tilespmem:s22+$0xFFFFFFA0] =	vst v1;
	v1 =	vld [tilespmem:s25+$0x0]  }
0x40: {  	v3 =	vld [tilespmem:s25+$0xFFFFFF00];
	[tilespmem:s22+$0xA0] =	vst v0  }
0x41: {  	[tilespmem:s22+$0x20] =	vst v2;
	v2 =	vld [tilespmem:s24+$0xFFFFFF20]  }
0x42: {  	[tilespmem:s18+$0xFFFFFF80] =	vst v5;
	v0 =	vld [tilespmem:s24+$0xB0]  }
0x43: {  	v5 =	vld [tilespmem:s25+$0xFFFFFF90];
	[tilespmem:s18+$0x90] =	vst v4  }
0x44: {  	[tilespmem:s18+$0x0] =	vst v1;
	v1 =	vld [tilespmem:s24+$0xFFFFFFB0]  }
0x45: {  	[tilespmem:s18+$0xFFFFFF00] =	vst v3;
	v6 =	vld [tilespmem:s25+$0x10]  }
0x46: {  	v7 =	vld [tilespmem:s25+$0xFFFFFF10];
	[tilespmem:s22+$0xFFFFFF20] =	vst v2  }
0x47: {  	[tilespmem:s22+$0xB0] =	vst v0;
	v0 =	vld [tilespmem:s24+$0xFFFFFF30]  }
0x48: {  	[tilespmem:s18+$0xFFFFFF90] =	vst v5;
	v2 =	vld [tilespmem:s25+$0xA0]  }
0x49: {  	v3 =	vld [tilespmem:s25+$0xFFFFFFA0];
	[tilespmem:s22+$0xFFFFFFB0] =	vst v1  }
0x4a: {  	v1 =	vld [tilespmem:s24+$0x30];
	[tilespmem:s18+$0x10] =	vst v6  }
0x4b: {  	s30 =	simm.s32 $0x4;
	[tilespmem:s18+$0xFFFFFF10] =	vst v7;
	s24 =	simm.s32 $0x900;
	v4 =	vld [tilespmem:s25+$0x20]  }
.LBB2_3:
0x4c: {  	v5 =	vld [tilespmem:s24+$0x80];
	s30 =	sadd.s32 $0x4, s30;
	[tilespmem:s22+$0xFFFFFF30] =	vst v0  }
0x4d: {  	v0 =	vld [tilespmem:s24+$0xFFFFFF80];
	p2 =	slt.u32 s30, $0x9C;
	[tilespmem:s18+$0xA0] =	vst v2  }
0x4e: {  	[tilespmem:s18+$0xFFFFFFA0] =	vst v3;
	v2 =	vld [tilespmem:s25+$0xB0]  }
0x4f: {  	v3 =	vld [tilespmem:s24+$0x0];
	[tilespmem:s22+$0x30] =	vst v1;
	s22 =	smov.u32 s18  }
0x50: {  	s18 =	sadd.s32 $0x200, s18;
	v1 =	vld [tilespmem:s24+$0xFFFFFF00];
	[tilespmem:s22+$0x20] =	vst v4  }
0x51: {  	[tilespmem:s18+$0x80] =	vst v5;
	v4 =	vld [tilespmem:s25+$0xFFFFFF20]  }
0x52: {  	[tilespmem:s18+$0xFFFFFF80] =	vst v0;
	v0 =	vld [tilespmem:s24+$0x90]  }
0x53: {  	v5 =	vld [tilespmem:s24+$0xFFFFFF90];
	[tilespmem:s22+$0xB0] =	vst v2  }
0x54: {  	[tilespmem:s18+$0x0] =	vst v3;
	v6 =	vld [tilespmem:s25+$0xFFFFFFB0]  }
0x55: {  	[tilespmem:s18+$0xFFFFFF00] =	vst v1;
	v1 =	vld [tilespmem:s24+$0x10]  }
0x56: {  	v7 =	vld [tilespmem:s24+$0xFFFFFF10];
	[tilespmem:s22+$0xFFFFFF20] =	vst v4  }
.Ltmp0:
0x57: {  	[tilespmem:s18+$0x90] =	vst v0;
	v0 =	vld [tilespmem:s25+$0xFFFFFF30];
	(pc) =	sbr.rel @p2 .LBB2_3-.Ltmp0, $4  }
0x58: {  	[tilespmem:s18+$0xFFFFFF90] =	vst v5;
	v2 =	vld [tilespmem:s24+$0xA0]  }
0x59: {  	v3 =	vld [tilespmem:s24+$0xFFFFFFA0];
	[tilespmem:s22+$0xFFFFFFB0] =	vst v6  }
0x5a: {  	[tilespmem:s18+$0x10] =	vst v1;
	v1 =	vld [tilespmem:s25+$0x30];
	s25 =	smov.u32 s24  }
0x5b: {  	s24 =	sadd.s32 $0x200, s24;
	[tilespmem:s18+$0xFFFFFF10] =	vst v7;
	v4 =	vld [tilespmem:s25+$0x20]  }
0x5c: {  	v5 =	vld [tilespmem:s25+$0xFFFFFF20]  }
0x5d: {  	[tilespmem:s22+$0xFFFFFF30] =	vst v0  }
0x5e: {  	[tilespmem:s18+$0xA0] =	vst v2  }
0x5f: {  	[tilespmem:s18+$0xFFFFFFA0] =	vst v3;
	v2 =	vld [tilespmem:s25+$0xB0]  }
0x60: {  	v3 =	vld [tilespmem:s25+$0xFFFFFFB0];
	[tilespmem:s18+$0x20] =	vst v4  }
0x61: {  	[tilespmem:s18+$0xFFFFFF20] =	vst v5;
	v0 =	vld [tilespmem:s25+$0x30]  }
0x62: {  	v4 =	vld [tilespmem:s25+$0xFFFFFF30]  }
0x63: {  	[tilespmem:s22+$0x30] =	vst v1;
	s22 =	smul.u32 $0x280, s7  }
0x64: {  	[tilespmem:s18+$0xB0] =	vst v2  }
0x65: {  	s20 =	sadd.s32 s4, s22;
	[tilespmem:s18+$0xFFFFFFB0] =	vst v3  }
0x66: {  	s20 =	sshll.u32 s20, $0x4;
	[tilespmem:s18+$0x30] =	vst v0  }
0x67: {  	s25 =	sadd.s32 s6, s20;
	[tilespmem:s18+$0xFFFFFF30] =	vst v4  }
0x68: {  	[hbm4b:s25+s3] =	stream.linear.scatter [tilespmem:s31], [sflag:$0x9], $0x5000, $0x38;
	[tilespmem:$0x1E400] =	vst v63  }
0x69: {  	s18 =	sadd.s32 @!p0 s22, s12;
	_ =	swait.ge [sflag:s1], $0x5000  }
0x6a: {  	s24 =	simm.s32 @!p0 $0x100;
	s18 =	sshrl.u32 @!p0 s18, $0x3;
	[sflag:s1] =	ssyncset.done $0x0  }
0x6b: {  	s20 =	simm.s32 @!p0 $0x0;
	s18 =	sadd.s32 @!p0 s2, s18;
	[sflag:s1] =	ssyncadd.s32 $0xFFFFB000  }
0x6c: {  	[tilespmem:s24], [sflag:$0x2] =	stream.linear.gather @!p0 [hbm4b:s18+s20], $0xA0, $0x38;
	[tilespmem:$0x1E400] =	vst v63  }
0x6d: {  	_ =	swait.ge [sflag:s0], $0xA0  }
0x6e: {  	[sflag:s0] =	ssyncset.done $0x0  }
0x6f: {  	s20 =	simm.s32 $0xF400;
	s18 =	simm.s32 @!p1 $0xA;
	[sflag:s0] =	ssyncadd.s32 $0xFFFFFF60  }
0x70: {  	[tilespmem:s20], [sflag:$0x8] =	stream.indirect.gather [hbm4b:s5+s23], $0x80, s21, s23, $0xb8;
	[tilespmem:$0x1E400] =	vst v63  }
0x71: {  	_ =	swait.ge @!p1 [sflag:s18], $0x5000  }
0x72: {  	[sflag:s18] =	ssyncset.done @!p1 $0x0  }
0x73: {  	s24 =	simm.s32 $0x5500;
	[sflag:s18] =	ssyncadd.s32 @!p1 $0xFFFFB000  }
0x74: {  	v1 =	vld [tilespmem:s24+$0xFFFFFF80]  }
0x75: {  	v0 =	vld [tilespmem:s24+$0x80]  }
0x76: {  	v2 =	vld [tilespmem:s24+$0x0];
	_ =	sdelay $0x1  }
0x77: {  	s25 =	simm.s32 $0x19500  }
0x78: {  	v3 =	vld [tilespmem:s24+$0xFFFFFF00];
	[tilespmem:s25+$0xFFFFFF80] =	vst v1  }
0x79: {  	[tilespmem:s25+$0x80] =	vst v0;
	v1 =	vld [tilespmem:s24+$0xFFFFFF90]  }
0x7a: {  	[tilespmem:s25+$0x0] =	vst v2;
	v0 =	vld [tilespmem:s24+$0x90]  }
0x7b: {  	v2 =	vld [tilespmem:s24+$0x10]  }
0x7c: {  	s18 =	simm.s32 $0x5700  }
0x7d: {  	v4 =	vld [tilespmem:s18+$0x80];
	[tilespmem:s25+$0xFFFFFF00] =	vst v3  }
0x7e: {  	v3 =	vld [tilespmem:s24+$0xFFFFFF10];
	[tilespmem:s25+$0xFFFFFF90] =	vst v1  }
0x7f: {  	[tilespmem:s25+$0x90] =	vst v0;
	v1 =	vld [tilespmem:s24+$0xFFFFFFA0]  }
0x80: {  	[tilespmem:s25+$0x10] =	vst v2;
	v0 =	vld [tilespmem:s24+$0xA0]  }
0x81: {  	s30 =	simm.s32 $0x19700;
	v2 =	vld [tilespmem:s24+$0x20]  }
0x82: {  	v5 =	vld [tilespmem:s18+$0xFFFFFF80];
	[tilespmem:s30+$0x80] =	vst v4  }
0x83: {  	v4 =	vld [tilespmem:s18+$0x90];
	[tilespmem:s25+$0xFFFFFF10] =	vst v3  }
0x84: {  	[tilespmem:s25+$0xFFFFFFA0] =	vst v1;
	v1 =	vld [tilespmem:s18+$0x0]  }
0x85: {  	v3 =	vld [tilespmem:s18+$0xFFFFFF00];
	[tilespmem:s25+$0xA0] =	vst v0  }
0x86: {  	[tilespmem:s25+$0x20] =	vst v2;
	v2 =	vld [tilespmem:s24+$0xFFFFFF20]  }
0x87: {  	[tilespmem:s30+$0xFFFFFF80] =	vst v5;
	v0 =	vld [tilespmem:s24+$0xB0]  }
0x88: {  	v5 =	vld [tilespmem:s18+$0xFFFFFF90];
	[tilespmem:s30+$0x90] =	vst v4  }
0x89: {  	[tilespmem:s30+$0x0] =	vst v1;
	v1 =	vld [tilespmem:s24+$0xFFFFFFB0]  }
0x8a: {  	[tilespmem:s30+$0xFFFFFF00] =	vst v3;
	v6 =	vld [tilespmem:s18+$0x10]  }
0x8b: {  	v7 =	vld [tilespmem:s18+$0xFFFFFF10];
	[tilespmem:s25+$0xFFFFFF20] =	vst v2  }
0x8c: {  	[tilespmem:s25+$0xB0] =	vst v0;
	v0 =	vld [tilespmem:s24+$0xFFFFFF30]  }
0x8d: {  	[tilespmem:s30+$0xFFFFFF90] =	vst v5;
	v2 =	vld [tilespmem:s18+$0xA0]  }
0x8e: {  	v3 =	vld [tilespmem:s18+$0xFFFFFFA0];
	[tilespmem:s25+$0xFFFFFFB0] =	vst v1  }
0x8f: {  	v1 =	vld [tilespmem:s24+$0x30];
	[tilespmem:s30+$0x10] =	vst v6  }
0x90: {  	s20 =	simm.s32 $0x5900;
	[tilespmem:s30+$0xFFFFFF10] =	vst v7;
	s24 =	simm.s32 $0x4;
	v4 =	vld [tilespmem:s18+$0x20]  }
.LBB2_5:
0x91: {  	v5 =	vld [tilespmem:s20+$0x80];
	s24 =	sadd.s32 $0x4, s24;
	[tilespmem:s25+$0xFFFFFF30] =	vst v0  }
0x92: {  	v0 =	vld [tilespmem:s20+$0xFFFFFF80];
	p1 =	slt.u32 s24, $0x9C;
	[tilespmem:s30+$0xA0] =	vst v2  }
0x93: {  	[tilespmem:s30+$0xFFFFFFA0] =	vst v3;
	v2 =	vld [tilespmem:s18+$0xB0]  }
0x94: {  	v3 =	vld [tilespmem:s20+$0x0];
	[tilespmem:s25+$0x30] =	vst v1;
	s25 =	smov.u32 s30  }
0x95: {  	s30 =	sadd.s32 $0x200, s30;
	v1 =	vld [tilespmem:s20+$0xFFFFFF00];
	[tilespmem:s25+$0x20] =	vst v4  }
0x96: {  	[tilespmem:s30+$0x80] =	vst v5;
	v4 =	vld [tilespmem:s18+$0xFFFFFF20]  }
0x97: {  	[tilespmem:s30+$0xFFFFFF80] =	vst v0;
	v0 =	vld [tilespmem:s20+$0x90]  }
0x98: {  	v5 =	vld [tilespmem:s20+$0xFFFFFF90];
	[tilespmem:s25+$0xB0] =	vst v2  }
0x99: {  	[tilespmem:s30+$0x0] =	vst v3;
	v6 =	vld [tilespmem:s18+$0xFFFFFFB0]  }
0x9a: {  	[tilespmem:s30+$0xFFFFFF00] =	vst v1;
	v1 =	vld [tilespmem:s20+$0x10]  }
0x9b: {  	v7 =	vld [tilespmem:s20+$0xFFFFFF10];
	[tilespmem:s25+$0xFFFFFF20] =	vst v4  }
.Ltmp1:
0x9c: {  	[tilespmem:s30+$0x90] =	vst v0;
	v0 =	vld [tilespmem:s18+$0xFFFFFF30];
	(pc) =	sbr.rel @p1 .LBB2_5-.Ltmp1, $4  }
0x9d: {  	[tilespmem:s30+$0xFFFFFF90] =	vst v5;
	v2 =	vld [tilespmem:s20+$0xA0]  }
0x9e: {  	v3 =	vld [tilespmem:s20+$0xFFFFFFA0];
	[tilespmem:s25+$0xFFFFFFB0] =	vst v6  }
0x9f: {  	[tilespmem:s30+$0x10] =	vst v1;
	v1 =	vld [tilespmem:s18+$0x30];
	s18 =	smov.u32 s20  }
0xa0: {  	s20 =	sadd.s32 $0x200, s20;
	[tilespmem:s30+$0xFFFFFF10] =	vst v7;
	v4 =	vld [tilespmem:s18+$0x20]  }
0xa1: {  	v5 =	vld [tilespmem:s18+$0xFFFFFF20]  }
0xa2: {  	[tilespmem:s25+$0xFFFFFF30] =	vst v0  }
0xa3: {  	[tilespmem:s30+$0xA0] =	vst v2  }
0xa4: {  	[tilespmem:s30+$0xFFFFFFA0] =	vst v3;
	v2 =	vld [tilespmem:s18+$0xB0]  }
0xa5: {  	v3 =	vld [tilespmem:s18+$0xFFFFFFB0];
	[tilespmem:s30+$0x20] =	vst v4  }
0xa6: {  	[tilespmem:s30+$0xFFFFFF20] =	vst v5;
	v0 =	vld [tilespmem:s18+$0x30]  }
0xa7: {  	v4 =	vld [tilespmem:s18+$0xFFFFFF30]  }
0xa8: {  	[tilespmem:s25+$0x30] =	vst v1  }
0xa9: {  	[tilespmem:s30+$0xB0] =	vst v2  }
0xaa: {  	s20 =	sadd.s32 s22, s13;
	[tilespmem:s30+$0xFFFFFFB0] =	vst v3  }
0xab: {  	s18 =	sshll.u32 s20, $0x4;
	[tilespmem:s30+$0x30] =	vst v0  }
0xac: {  	s18 =	sadd.s32 s6, s18;
	[tilespmem:s30+$0xFFFFFF30] =	vst v4  }
0xad: {  	[hbm4b:s18+s3] =	stream.linear.scatter [tilespmem:s26], [sflag:$0xA], $0x5000, $0x38;
	[tilespmem:$0x1E400] =	vst v63  }
0xae: {  	s18 =	sadd.s32 @!p0 s22, s14;
	_ =	swait.ge [sflag:s8], $0x5000  }
0xaf: {  	s24 =	simm.s32 @!p0 $0x200;
	s18 =	sshrl.u32 @!p0 s18, $0x3;
	[sflag:s8] =	ssyncset.done $0x0  }
0xb0: {  	s20 =	simm.s32 @!p0 $0x0;
	s18 =	sadd.s32 @!p0 s2, s18;
	[sflag:s8] =	ssyncadd.s32 $0xFFFFB000  }
0xb1: {  	[tilespmem:s24], [sflag:$0x3] =	stream.linear.gather @!p0 [hbm4b:s18+s20], $0xA0, $0x38;
	[tilespmem:$0x1E400] =	vst v63  }
0xb2: {  	s18 =	simm.s32 @!p0 $0x1  }
0xb3: {  	_ =	swait.ge @!p0 [sflag:s18], $0xA0  }
0xb4: {  	[sflag:s18] =	ssyncset.done @!p0 $0x0  }
0xb5: {  	s24 =	simm.s32 @!p0 $0x400;
	[sflag:s18] =	ssyncadd.s32 @!p0 $0xFFFFFF60;
	s18 =	simm.s32 @!p0 $0xA0  }
0xb6: {  	[tilespmem:s24], [sflag:$0x5] =	stream.indirect.gather @!p0 [hbm4b:s5+s18], $0x80, s20, s18, $0xb8;
	[tilespmem:$0x1E400] =	vst v63  }
0xb7: {  	_ =	swait.ge [sflag:s19], $0x5000  }
0xb8: {  	[sflag:s19] =	ssyncset.done $0x0  }
0xb9: {  	s24 =	simm.s32 $0xA500;
	[sflag:s19] =	ssyncadd.s32 $0xFFFFB000  }
0xba: {  	v1 =	vld [tilespmem:s24+$0xFFFFFF80]  }
0xbb: {  	v0 =	vld [tilespmem:s24+$0x80]  }
0xbc: {  	v2 =	vld [tilespmem:s24+$0x0];
	_ =	sdelay $0x1  }
0xbd: {  	s25 =	simm.s32 $0x14500  }
0xbe: {  	v3 =	vld [tilespmem:s24+$0xFFFFFF00];
	[tilespmem:s25+$0xFFFFFF80] =	vst v1  }
0xbf: {  	[tilespmem:s25+$0x80] =	vst v0;
	v1 =	vld [tilespmem:s24+$0xFFFFFF90]  }
0xc0: {  	[tilespmem:s25+$0x0] =	vst v2;
	v0 =	vld [tilespmem:s24+$0x90]  }
0xc1: {  	v2 =	vld [tilespmem:s24+$0x10]  }
0xc2: {  	s18 =	simm.s32 $0xA700  }
0xc3: {  	v4 =	vld [tilespmem:s18+$0x80];
	[tilespmem:s25+$0xFFFFFF00] =	vst v3  }
0xc4: {  	v3 =	vld [tilespmem:s24+$0xFFFFFF10];
	[tilespmem:s25+$0xFFFFFF90] =	vst v1  }
0xc5: {  	[tilespmem:s25+$0x90] =	vst v0;
	v1 =	vld [tilespmem:s24+$0xFFFFFFA0]  }
0xc6: {  	[tilespmem:s25+$0x10] =	vst v2;
	v0 =	vld [tilespmem:s24+$0xA0]  }
0xc7: {  	s30 =	simm.s32 $0x14700;
	v2 =	vld [tilespmem:s24+$0x20]  }
0xc8: {  	v5 =	vld [tilespmem:s18+$0xFFFFFF80];
	[tilespmem:s30+$0x80] =	vst v4  }
0xc9: {  	v4 =	vld [tilespmem:s18+$0x90];
	[tilespmem:s25+$0xFFFFFF10] =	vst v3  }
0xca: {  	[tilespmem:s25+$0xFFFFFFA0] =	vst v1;
	v1 =	vld [tilespmem:s18+$0x0]  }
0xcb: {  	v3 =	vld [tilespmem:s18+$0xFFFFFF00];
	[tilespmem:s25+$0xA0] =	vst v0  }
0xcc: {  	[tilespmem:s25+$0x20] =	vst v2;
	v2 =	vld [tilespmem:s24+$0xFFFFFF20]  }
0xcd: {  	[tilespmem:s30+$0xFFFFFF80] =	vst v5;
	v0 =	vld [tilespmem:s24+$0xB0]  }
0xce: {  	v5 =	vld [tilespmem:s18+$0xFFFFFF90];
	[tilespmem:s30+$0x90] =	vst v4  }
0xcf: {  	[tilespmem:s30+$0x0] =	vst v1;
	v1 =	vld [tilespmem:s24+$0xFFFFFFB0]  }
0xd0: {  	[tilespmem:s30+$0xFFFFFF00] =	vst v3;
	v6 =	vld [tilespmem:s18+$0x10]  }
0xd1: {  	v7 =	vld [tilespmem:s18+$0xFFFFFF10];
	[tilespmem:s25+$0xFFFFFF20] =	vst v2  }
0xd2: {  	[tilespmem:s25+$0xB0] =	vst v0;
	v0 =	vld [tilespmem:s24+$0xFFFFFF30]  }
0xd3: {  	[tilespmem:s30+$0xFFFFFF90] =	vst v5;
	v2 =	vld [tilespmem:s18+$0xA0]  }
0xd4: {  	v3 =	vld [tilespmem:s18+$0xFFFFFFA0];
	[tilespmem:s25+$0xFFFFFFB0] =	vst v1  }
0xd5: {  	v1 =	vld [tilespmem:s24+$0x30];
	[tilespmem:s30+$0x10] =	vst v6  }
0xd6: {  	s20 =	simm.s32 $0xA900;
	[tilespmem:s30+$0xFFFFFF10] =	vst v7;
	s24 =	simm.s32 $0x4;
	v4 =	vld [tilespmem:s18+$0x20]  }
.LBB2_7:
0xd7: {  	v5 =	vld [tilespmem:s20+$0x80];
	s24 =	sadd.s32 $0x4, s24;
	[tilespmem:s25+$0xFFFFFF30] =	vst v0  }
0xd8: {  	v0 =	vld [tilespmem:s20+$0xFFFFFF80];
	p1 =	slt.u32 s24, $0x9C;
	[tilespmem:s30+$0xA0] =	vst v2  }
0xd9: {  	[tilespmem:s30+$0xFFFFFFA0] =	vst v3;
	v2 =	vld [tilespmem:s18+$0xB0]  }
0xda: {  	v3 =	vld [tilespmem:s20+$0x0];
	[tilespmem:s25+$0x30] =	vst v1;
	s25 =	smov.u32 s30  }
0xdb: {  	s30 =	sadd.s32 $0x200, s30;
	v1 =	vld [tilespmem:s20+$0xFFFFFF00];
	[tilespmem:s25+$0x20] =	vst v4  }
0xdc: {  	[tilespmem:s30+$0x80] =	vst v5;
	v4 =	vld [tilespmem:s18+$0xFFFFFF20]  }
0xdd: {  	[tilespmem:s30+$0xFFFFFF80] =	vst v0;
	v0 =	vld [tilespmem:s20+$0x90]  }
0xde: {  	v5 =	vld [tilespmem:s20+$0xFFFFFF90];
	[tilespmem:s25+$0xB0] =	vst v2  }
0xdf: {  	[tilespmem:s30+$0x0] =	vst v3;
	v6 =	vld [tilespmem:s18+$0xFFFFFFB0]  }
0xe0: {  	[tilespmem:s30+$0xFFFFFF00] =	vst v1;
	v1 =	vld [tilespmem:s20+$0x10]  }
0xe1: {  	v7 =	vld [tilespmem:s20+$0xFFFFFF10];
	[tilespmem:s25+$0xFFFFFF20] =	vst v4  }
.Ltmp2:
0xe2: {  	[tilespmem:s30+$0x90] =	vst v0;
	v0 =	vld [tilespmem:s18+$0xFFFFFF30];
	(pc) =	sbr.rel @p1 .LBB2_7-.Ltmp2, $4  }
0xe3: {  	[tilespmem:s30+$0xFFFFFF90] =	vst v5;
	v2 =	vld [tilespmem:s20+$0xA0]  }
0xe4: {  	v3 =	vld [tilespmem:s20+$0xFFFFFFA0];
	[tilespmem:s25+$0xFFFFFFB0] =	vst v6  }
0xe5: {  	[tilespmem:s30+$0x10] =	vst v1;
	v1 =	vld [tilespmem:s18+$0x30];
	s18 =	smov.u32 s20  }
0xe6: {  	s20 =	sadd.s32 $0x200, s20;
	[tilespmem:s30+$0xFFFFFF10] =	vst v7;
	v4 =	vld [tilespmem:s18+$0x20]  }
0xe7: {  	v5 =	vld [tilespmem:s18+$0xFFFFFF20]  }
0xe8: {  	[tilespmem:s25+$0xFFFFFF30] =	vst v0  }
0xe9: {  	[tilespmem:s30+$0xA0] =	vst v2  }
0xea: {  	[tilespmem:s30+$0xFFFFFFA0] =	vst v3;
	v2 =	vld [tilespmem:s18+$0xB0]  }
0xeb: {  	v3 =	vld [tilespmem:s18+$0xFFFFFFB0];
	[tilespmem:s30+$0x20] =	vst v4  }
0xec: {  	[tilespmem:s30+$0xFFFFFF20] =	vst v5;
	v0 =	vld [tilespmem:s18+$0x30]  }
0xed: {  	v4 =	vld [tilespmem:s18+$0xFFFFFF30]  }
0xee: {  	[tilespmem:s25+$0x30] =	vst v1  }
0xef: {  	[tilespmem:s30+$0xB0] =	vst v2  }
0xf0: {  	s20 =	sadd.s32 s22, s15;
	[tilespmem:s30+$0xFFFFFFB0] =	vst v3  }
0xf1: {  	s18 =	sshll.u32 s20, $0x4;
	[tilespmem:s30+$0x30] =	vst v0  }
0xf2: {  	s18 =	sadd.s32 s6, s18;
	[tilespmem:s30+$0xFFFFFF30] =	vst v4  }
0xf3: {  	[hbm4b:s18+s3] =	stream.linear.scatter [tilespmem:s31], [sflag:$0x9], $0x5000, $0x38;
	[tilespmem:$0x1E400] =	vst v63  }
0xf4: {  	s18 =	sadd.s32 @!p0 s22, s16;
	_ =	swait.ge [sflag:s9], $0x5000  }
0xf5: {  	s24 =	simm.s32 @!p0 $0x300;
	s18 =	sshrl.u32 @!p0 s18, $0x3;
	[sflag:s9] =	ssyncset.done $0x0  }
0xf6: {  	s20 =	simm.s32 @!p0 $0x0;
	s18 =	sadd.s32 @!p0 s2, s18;
	[sflag:s9] =	ssyncadd.s32 $0xFFFFB000  }
0xf7: {  	[tilespmem:s24], [sflag:$0x4] =	stream.linear.gather @!p0 [hbm4b:s18+s20], $0xA0, $0x38;
	[tilespmem:$0x1E400] =	vst v63  }
0xf8: {  	s18 =	simm.s32 @!p0 $0x2  }
0xf9: {  	_ =	swait.ge @!p0 [sflag:s18], $0xA0  }
0xfa: {  	s20 =	simm.s32 @!p0 $0x100;
	[sflag:s18] =	ssyncset.done @!p0 $0x0  }
0xfb: {  	s24 =	simm.s32 @!p0 $0x5400;
	[sflag:s18] =	ssyncadd.s32 @!p0 $0xFFFFFF60;
	s18 =	simm.s32 @!p0 $0xA0  }
0xfc: {  	[tilespmem:s24], [sflag:$0x6] =	stream.indirect.gather @!p0 [hbm4b:s5+s18], $0x80, s20, s18, $0xb8;
	[tilespmem:$0x1E400] =	vst v63  }
0xfd: {  	_ =	swait.ge [sflag:s10], $0x5000  }
0xfe: {  	[sflag:s10] =	ssyncset.done $0x0  }
0xff: {  	s24 =	simm.s32 $0xF500;
	[sflag:s10] =	ssyncadd.s32 $0xFFFFB000  }
0x100: {  	v1 =	vld [tilespmem:s24+$0xFFFFFF80]  }
0x101: {  	v0 =	vld [tilespmem:s24+$0x80]  }
0x102: {  	v2 =	vld [tilespmem:s24+$0x0];
	_ =	sdelay $0x1  }
0x103: {  	s25 =	simm.s32 $0x19500  }
0x104: {  	v3 =	vld [tilespmem:s24+$0xFFFFFF00];
	[tilespmem:s25+$0xFFFFFF80] =	vst v1  }
0x105: {  	[tilespmem:s25+$0x80] =	vst v0;
	v1 =	vld [tilespmem:s24+$0xFFFFFF90]  }
0x106: {  	[tilespmem:s25+$0x0] =	vst v2;
	v0 =	vld [tilespmem:s24+$0x90]  }
0x107: {  	v2 =	vld [tilespmem:s24+$0x10]  }
0x108: {  	s18 =	simm.s32 $0xF700  }
0x109: {  	v4 =	vld [tilespmem:s18+$0x80];
	[tilespmem:s25+$0xFFFFFF00] =	vst v3  }
0x10a: {  	v3 =	vld [tilespmem:s24+$0xFFFFFF10];
	[tilespmem:s25+$0xFFFFFF90] =	vst v1  }
0x10b: {  	[tilespmem:s25+$0x90] =	vst v0;
	v1 =	vld [tilespmem:s24+$0xFFFFFFA0]  }
0x10c: {  	[tilespmem:s25+$0x10] =	vst v2;
	v0 =	vld [tilespmem:s24+$0xA0]  }
0x10d: {  	s30 =	simm.s32 $0x19700;
	v2 =	vld [tilespmem:s24+$0x20]  }
0x10e: {  	v5 =	vld [tilespmem:s18+$0xFFFFFF80];
	[tilespmem:s30+$0x80] =	vst v4  }
0x10f: {  	v4 =	vld [tilespmem:s18+$0x90];
	[tilespmem:s25+$0xFFFFFF10] =	vst v3  }
0x110: {  	[tilespmem:s25+$0xFFFFFFA0] =	vst v1;
	v1 =	vld [tilespmem:s18+$0x0]  }
0x111: {  	v3 =	vld [tilespmem:s18+$0xFFFFFF00];
	[tilespmem:s25+$0xA0] =	vst v0  }
0x112: {  	[tilespmem:s25+$0x20] =	vst v2;
	v2 =	vld [tilespmem:s24+$0xFFFFFF20]  }
0x113: {  	[tilespmem:s30+$0xFFFFFF80] =	vst v5;
	v0 =	vld [tilespmem:s24+$0xB0]  }
0x114: {  	v5 =	vld [tilespmem:s18+$0xFFFFFF90];
	[tilespmem:s30+$0x90] =	vst v4  }
0x115: {  	[tilespmem:s30+$0x0] =	vst v1;
	v1 =	vld [tilespmem:s24+$0xFFFFFFB0]  }
0x116: {  	[tilespmem:s30+$0xFFFFFF00] =	vst v3;
	v6 =	vld [tilespmem:s18+$0x10]  }
0x117: {  	v7 =	vld [tilespmem:s18+$0xFFFFFF10];
	[tilespmem:s25+$0xFFFFFF20] =	vst v2  }
0x118: {  	[tilespmem:s25+$0xB0] =	vst v0;
	v0 =	vld [tilespmem:s24+$0xFFFFFF30]  }
0x119: {  	[tilespmem:s30+$0xFFFFFF90] =	vst v5;
	v2 =	vld [tilespmem:s18+$0xA0]  }
0x11a: {  	v3 =	vld [tilespmem:s18+$0xFFFFFFA0];
	[tilespmem:s25+$0xFFFFFFB0] =	vst v1  }
0x11b: {  	v1 =	vld [tilespmem:s24+$0x30];
	[tilespmem:s30+$0x10] =	vst v6  }
0x11c: {  	s20 =	simm.s32 $0xF900;
	[tilespmem:s30+$0xFFFFFF10] =	vst v7;
	s24 =	simm.s32 $0x4;
	v4 =	vld [tilespmem:s18+$0x20]  }
.LBB2_9:
0x11d: {  	v5 =	vld [tilespmem:s20+$0x80];
	s24 =	sadd.s32 $0x4, s24;
	[tilespmem:s25+$0xFFFFFF30] =	vst v0  }
0x11e: {  	v0 =	vld [tilespmem:s20+$0xFFFFFF80];
	p0 =	slt.u32 s24, $0x9C;
	[tilespmem:s30+$0xA0] =	vst v2  }
0x11f: {  	[tilespmem:s30+$0xFFFFFFA0] =	vst v3;
	v2 =	vld [tilespmem:s18+$0xB0]  }
0x120: {  	v3 =	vld [tilespmem:s20+$0x0];
	[tilespmem:s25+$0x30] =	vst v1;
	s25 =	smov.u32 s30  }
0x121: {  	s30 =	sadd.s32 $0x200, s30;
	v1 =	vld [tilespmem:s20+$0xFFFFFF00];
	[tilespmem:s25+$0x20] =	vst v4  }
0x122: {  	[tilespmem:s30+$0x80] =	vst v5;
	v4 =	vld [tilespmem:s18+$0xFFFFFF20]  }
0x123: {  	[tilespmem:s30+$0xFFFFFF80] =	vst v0;
	v0 =	vld [tilespmem:s20+$0x90]  }
0x124: {  	v5 =	vld [tilespmem:s20+$0xFFFFFF90];
	[tilespmem:s25+$0xB0] =	vst v2  }
0x125: {  	[tilespmem:s30+$0x0] =	vst v3;
	v6 =	vld [tilespmem:s18+$0xFFFFFFB0]  }
0x126: {  	[tilespmem:s30+$0xFFFFFF00] =	vst v1;
	v1 =	vld [tilespmem:s20+$0x10]  }
0x127: {  	v7 =	vld [tilespmem:s20+$0xFFFFFF10];
	[tilespmem:s25+$0xFFFFFF20] =	vst v4  }
.Ltmp3:
0x128: {  	[tilespmem:s30+$0x90] =	vst v0;
	v0 =	vld [tilespmem:s18+$0xFFFFFF30];
	(pc) =	sbr.rel @p0 .LBB2_9-.Ltmp3, $4  }
0x129: {  	[tilespmem:s30+$0xFFFFFF90] =	vst v5;
	v2 =	vld [tilespmem:s20+$0xA0]  }
0x12a: {  	v3 =	vld [tilespmem:s20+$0xFFFFFFA0];
	[tilespmem:s25+$0xFFFFFFB0] =	vst v6  }
0x12b: {  	[tilespmem:s30+$0x10] =	vst v1;
	v1 =	vld [tilespmem:s18+$0x30];
	s18 =	smov.u32 s20  }
0x12c: {  	s20 =	sadd.s32 $0x200, s20;
	[tilespmem:s30+$0xFFFFFF10] =	vst v7;
	v4 =	vld [tilespmem:s18+$0x20]  }
0x12d: {  	v5 =	vld [tilespmem:s18+$0xFFFFFF20];
	_ =	sdelay $0x1  }
0x12e: {  	[tilespmem:s30+$0xA0] =	vst v2  }
0x12f: {  	[tilespmem:s30+$0xFFFFFFA0] =	vst v3;
	v2 =	vld [tilespmem:s18+$0xB0]  }
0x130: {  	v3 =	vld [tilespmem:s18+$0xFFFFFFB0];
	[tilespmem:s30+$0x20] =	vst v4  }
0x131: {  	[tilespmem:s30+$0xFFFFFF20] =	vst v5;
	v63 =	vld [tilespmem:s18+$0x30]  }
0x132: {  	[tilespmem:s25+$0xFFFFFF30] =	vst v0;
	s7 =	sadd.s32 $0x1, s7;
	v62 =	vld [tilespmem:s18+$0xFFFFFF30]  }
0x133: {  	p0 =	sne.s32 s7, $0x28;
	[tilespmem:s25+$0x30] =	vst v1  }
.Ltmp4:
0x134: {  	[tilespmem:s30+$0xB0] =	vst v2;
	(pc) =	sbr.rel @p0 .LBB2_2-.Ltmp4, $4  }
0x135: {  	s25 =	sadd.s32 s22, s17;
	[tilespmem:s30+$0xFFFFFFB0] =	vst v3  }
0x136: {  	s18 =	sshll.u32 s25, $0x4;
	[tilespmem:s30+$0x30] =	vst v63  }
0x137: {  	s18 =	sadd.s32 s6, s18;
	[tilespmem:s30+$0xFFFFFF30] =	vst v62  }
0x138: {  	[hbm4b:s18+s3] =	stream.linear.scatter [tilespmem:s26], [sflag:$0xA], $0x5000, $0x38;
	[tilespmem:$0x1E400] =	vst v63  }
0x139: {  	_ =	swait.ge [sflag:s19], $0x5000  }
0x13a: {  	[sflag:s19] =	ssyncset.done $0x0  }
0x13b: {  	[sflag:s19] =	ssyncadd.s32 $0xFFFFB000  }
0x13c: {  	_ =	swait.ge [sflag:s10], $0x5000  }
0x13d: {  	s18 =	rddreg [dreg:$0x8]  }
0x13e: {  	s7 =	rddreg [dreg:$0x7];
	s18 =	sadd.s32 $0x1, s18  }
0x13f: {  	p0 =	sne.s32 s18, s7  }
.Ltmp5:
0x140: {  	_ = 	snop;
	(pc) =	sbr.rel @p0 .LBB2_1-.Ltmp5, $3  }
0x141: {  	_ =	sdelay $0x1  }
0x142: {  	[sflag:s10] =	ssyncset.done $0x0  }
0x143: {  	[sflag:s10] =	ssyncadd.s32 $0xFFFFB000  }
0x144: {  	_ =	sfence.sel $0x180000  }
0x145: {  	[bflag:$0x0] =	sbarrier.arrive $0xFFFF  }
0x146: {  	_ =	strace $0x90000047  }
0x147: {  	s0 =	stileid.u32;
	[bflag:$0x2] =	sbarrier.arrive $0xFFFF  }
0x148: {  	p0 =	sne.s32 s0, $0x0;
	s0 =	rddreg [dreg:$0x2]  }
0x149: {  	s0 =	sadd.s32 @!p0 $0x100000, s0  }
0x14a: {  	[sflag:s0] =	ssyncadd.tile.s32 @!p0 $0x1;
	_ =	shalt  }
.Lfunc_end2:
_tile_overlayer_lowered:
.L_overlay_start_2:
0x14b: {  	(tag) =	ssettag $0x2  }
0x14c: {  	s0 =	rddreg [dreg:$0x0];
	s2 =	stileid.u32  }
0x14d: {  	s1 =	rddreg [dreg:$0x1];
	p0 =	sne.s32 s2, $0x0  }
0x14e: {  	s3 =	rddreg [dreg:$0x2];
	[bflag:$0x3] =	sbarrier.arrive $0xFFFF;
	s2 =	simm.s32 @!p0 $0x1C0B  }
0x14f: {  	[timem:s3], [sflag:s2] =	dma.local @!p0 [hbm:s0], s1  }
0x150: {  	s0 =	simm.s32 @!p0 $0xB  }
0x151: {  	_ =	swait.ge @!p0 [sflag:s0], s1  }
0x152: {  	s1 =	ssub.s32 @!p0 $0x0, s1;
	[sflag:s0] =	ssyncset.done @!p0 $0x0  }
0x153: {  	[sflag:s0] =	ssyncadd.s32 @!p0 s1  }
0x154: {  	[bflag:$0x3] =	sbarrier.arrive $0xFFFF  }
0x155: {  	_ =	shalt  }

// kernel: sparse-core-data-format-call.cloned.1.call-start
scs
called_computation_lowered:
.L_overlay_start_0:
0x0: {  	s2 =	sld [smem:$0x3FD9]  }
0x1: {  	s3 =	sld [smem:$0x3FFE];
	_ =	sdelay $0x1  }
0x2: {  	s1 =	srdreg.scid  }
0x3: {  	s0 =	sand.u32 $0x1, s1  }
0x4: {  	s18 =	sshll.u32 s0, $0xA;
	s2 =	sadd.s32 s3, s2  }
0x5: {  	s2 =	sadd.s32 s2, s18  }
0x6: {  	[smem:$0x3FC6] =	sst s2  }
0x7: {  	_ = 	snop  }
0x8: {  	s2 =	sld [smem:$0x3FD0];
	(tm) =	ssettm $0x1  }
0x9: {  	s19 =	sld [smem:$0x3FFB];
	_ =	sdelay $0x3  }
0xa: {  	_ =	strace s19  }
0xb: {  	s3 =	sld [smem:$0x3FFC];
	_ =	sdelay $0x3  }
0xc: {  	_ =	strace s3  }
0xd: {  	s3 =	sld [smem:$0x3FFD];
	_ =	sdelay $0x3  }
0xe: {  	_ =	strace s3  }
0xf: {  	_ =	strace $0x8FFFFFFF  }
0x10: {  	s20 =	sld [smem:$0x3FDB];
	_ =	sdelay $0x1  }
0x11: {  	s4 =	simm.s32 $_scs_section_size  }
0x12: {  	s5 =	simm.s32 $_size__tile_overlayer_lowered;
	s6 =	simm.s32 $_tile_overlayer_lowered  }
0x13: {  	s23 =	simm.s32 $0x1BFF;
	s22 =	sshll.u32 s6, $0x1;
	s3 =	sadd.s32 s4, s20  }
0x14: {  	s7 =	simm.s32 $0x0;
	s21 =	sshll.u32 s5, $0x1;
	s5 =	sadd.s32 s22, s3  }
0x15: {  	[timem:s7], [sflag:s23] =	dma.local [hbm:s5], s21  }
0x16: {  	_ =	swait.ge [sflag:s23], s21  }
0x17: {  	s4 =	ssub.s32 $0x0, s21;
	[sflag:s23] =	ssyncset.done $0x0  }
0x18: {  	[sflag:s23] =	ssyncadd.s32 s4;
	_ =	sdelay $0x1  }
0x19: {  	s24 =	simm.s32 $0x1B8B  }
0x1a: {  	_ =	swait.ge [sflag:s24], $0x1  }
0x1b: {  	[sflag:s24] =	ssyncset.done $0x0  }
0x1c: {  	s26 =	simm.s32 $0x1B8E;
	s25 =	sld [smem:$0x3FFE];
	[sflag:s24] =	ssyncadd.s32 $0xFFFFFFFF  }
0x1d: {  	s27 =	simm.s32 $execute0_lowered;
	[smem:$0x3FD2] =	sst s26  }
0x1e: {  	s5 =	sshll.u32 s27, $0x1;
	_ =	strace $0x80000049;
	[dreg:$0x1] =	wrdreg $0xFFFFFFFF  }
0x1f: {  	s28 =	simm.s32 $_size_execute0_lowered;
	s3 =	sadd.s32 s3, s5;
	[dreg:$0x0] =	wrdreg $0x0  }
0x20: {  	s5 =	sshll.u32 s28, $0x1;
	[dreg:$0x2] =	wrdreg s3  }
0x21: {  	[dreg:$0x3] =	wrdreg s5  }
0x22: {  	[dreg:$0x4] =	wrdreg $0xC0  }
0x23: {  	_ =	task [dreg:s7], $0x5FFFF  }
0x24: {  	[dreg:$0x1] =	wrdreg $0xFFFFFFFF  }
0x25: {  	[dreg:$0x0] =	wrdreg $0x60  }
0x26: {  	[dreg:$0x2] =	wrdreg s25  }
0x27: {  	[dreg:$0x3] =	wrdreg s2  }
0x28: {  	[dreg:$0x4] =	wrdreg $0x9  }
0x29: {  	_ =	task.clear_ibuf [dreg:s7], $0x5FFFF;
	_ =	strace $0x90000049  }
0x2a: {  	s29 =	simm.s32 $0x9;
	_ =	strace $0x8000004B  }
0x2b: {  	_ =	swait.ge [sflag:s29], $0x1  }
0x2c: {  	[sflag:s29] =	ssyncadd.s32 $0xFFFFFFFF  }
0x2d: {  	_ =	strace $0x9000004B  }
0x2e: {  	_ =	sfence  }
0x2f: {  	s30 =	sld [smem:$0x0];
	_ =	sdelay $0x2  }
0x30: {  	s31 =	sshll.u32 s1, $0xD;
	s1 =	sshrl.u32 s1, $0x2  }
0x31: {  	s3 =	sand.u32 $0x4000, s31;
	s1 =	sadd.s32 s1, s30  }
0x32: {  	s0 =	sor.u32 s3, s0;
	s1 =	sshll.u32 s1, $0x11  }
0x33: {  	s0 =	sor.u32 s1, s0  }
0x34: {  	s0 =	sadd.s32 $0x8F2B, s0  }
0x35: {  	[sflag:s0] =	ssyncadd.remote.s32 $0x1  }
0x36: {  	_ =	sfence.sel $0xFFFF  }
0x37: {  	[dreg:$0x0] =	wrdreg $0xFFFFFFFF;
	(pc) =	sbr.abs _section_cstart, $3  }
0x38: {  	[dreg:$0x1] =	wrdreg $0xFFFFFFFF  }
0x39: {  	_ =	task.clear_ibuf [dreg:s7], $0x2FFFF;
	_ =	strace $0x9FFFFFFF  }
0x3a: {  	(tm) =	ssettm $0x7FFFFFFF  }
0x3b: {  	_ =	shalt  }
tec
execute0_lowered:
.L_overlay_start_1:
0x0: {  	(tag) =	ssettag $0x1  }
0x1: {  	s0 =	srdreg.scid  }
0x2: {  	s1 =	sshll.u32 s0, $0x4  }
0x3: {  	s0 =	stileid.u32;
	s1 =	sand.u32 $0x10, s1  }
0x4: {  	s1 =	sor.u32 s0, s1  }
0x5: {  	s6 =	rddreg [dreg:$0x0];
	s4 =	simm.s32 $0x1;
	s2 =	sshll.u32 s1, $0x7  }
0x6: {  	s7 =	simm.s32 $0x2;
	s12 =	simm.s32 $0x0;
	s1 =	ssub.s32 $0x1000, s2  }
0x7: {  	s8 =	simm.s32 $0x8000;
	s13 =	simm.s32 $0x0;
	s3 =	sand.u32 $0xF80, s1  }
0x8: {  	s9 =	simm.s32 $0x0;
	s5 =	sshrl.u32 s1, $0xC;
	p0 =	sne.s32 s3, $0x0  }
.Ltmp0:
0x9: {  	s1 =	rddreg [dreg:$0x2];
	s4 =	simm.s32 @!p0 $0x0;
	(pc) =	sbr.rel .LBB1_1-.Ltmp0, $4  }
0xa: {  	s11 =	simm.s32 $0x0;
	s3 =	rddreg [dreg:$0x1];
	s5 =	sadd.s32 s4, s5  }
0xb: {  	_ =	strace $0x8000004A;
	s4 =	simm.s32 $0x1;
	s5 =	smul.u32 $0xC8, s5  }
0xc: {  	s6 =	sadd.s32 $0xF42C00, s6;
	s10 =	smov.u32 s2;
	[sflag:s4] =	ssyncpa.u1 $0x0  }
0xd: {  	p0 =	por $0x0, $0x0;
	[sflag:s7] =	ssyncpa.u1 $0x0;
	s7 =	sor.u32 $0x1, s5  }
.LBB1_4:
0xe: {  	s16 =	sshll.u32 s13, $0x3;
	s17 =	sand.u32 $0x78, s13  }
0xf: {  	s30 =	sand.u32 $0x7E00, s13;
	s12 =	sshll.u32 s12, $0xF;
	s16 =	sand.u32 $0xC00, s16  }
0x10: {  	[tilespmem:s15+$0x810 ss:$0x81] =	vst.msk $0xffff, v2;
	s31 =	sand.u32 $0x7, s13;
	s16 =	sor.u32 s17, s16;
	s17 =	sadd.s32 s3, s30  }
0x11: {  	[tilespmem:s15+$0x1020 ss:$0x81] =	vst.msk $0xffff, v0;
	s13 =	sshll.u32 s31, $0x12;
	s12 =	sadd.s32 s12, s17;
	s16 =	sshrl.u32 s16, $0x3  }
0x12: {  	[tilespmem:s15+$0x0 ss:$0x81] =	vst.msk $0xffff, v1;
	s13 =	sor.u32 $0x400, s13;
	s12 =	sadd.s32 s16, s12  }
0x13: {  	[hbm4b:s12+s13] =	stream.strided.scatter [tilespmem:s14], [sflag:$0x2], $0x2000, s8, s13, $0x20;
	[tilespmem:$0x8080] =	vst v63  }
.LBB1_5:
0x14: {  	s14 =	sadd.s32 $0x1, s9  }
0x15: {  	s12 =	sadd.s32 $0x1000, s10;
	s16 =	smov.u32 s10;
	p2 =	sgt.s32 s14, $0xC7  }
0x16: {  	s16 =	smov.u32 @p2 s12  }
0x17: {  	s14 =	simm.s32 @p2 $0x0;
	p2 =	sgt.s32 s16, $0xFFF  }
0x18: {  	s16 =	smov.u32 @p2 s2;
	p2 =	sne.s32 s11, s7  }
.Ltmp1:
0x19: {  	p1 =	slt.u32 s11, $0x2;
	(pc) =	sbr.rel @!p2 .LBB1_6-.Ltmp1, $4  }
0x1a: {  	s15 =	simm.s32 @!p1 $0x2  }
0x1b: {  	s13 =	smov.u32 s10;
	p0 =	por !p0, !p0;
	_ =	swait.ge @!p1 [sflag:s15], $0x2000  }
0x1c: {  	s12 =	smov.u32 s9;
	[sflag:s15] =	ssyncset.done @!p1 $0x0;
	s9 =	smov.u32 s14  }
0x1d: {  	s11 =	sadd.s32 $0x1, s11;
	[sflag:s15] =	ssyncadd.s32 @!p1 $0xFFFFE000;
	s10 =	smov.u32 s16  }
.LBB1_1:
0x1e: {  	p1 =	sge.u32 s11, s5  }
0x1f: {  	s14 =	sand.u32 @!p1 $0x1FFFFFF, s9  }
0x20: {  	s15 =	smulhi.u32 @!p1 $0x147AE15, s14;
	_ =	sdelay $0x1  }
0x21: {  	s15 =	smul.u32 @!p1 $0xC8, s15  }
0x22: {  	s16 =	sxor.u32 @!p1 $0xFFFFFFFF, s11;
	s17 =	smul.u32 @!p1 $0xC80, s10  }
0x23: {  	s31 =	sadd.s32 $0xFFFFFFFF, s11;
	s16 =	sshll.u32 @!p1 s16, $0xD;
	s14 =	ssub.s32 @!p1 s14, s15  }
0x24: {  	s15 =	sand.u32 @!p1 $0x2000, s16;
	s16 =	sadd.s32 @!p1 s6, s17;
	s14 =	sshll.u32 @!p1 s14, $0x4  }
0x25: {  	s17 =	simm.s32 @!p1 $0x6400;
	s14 =	sadd.s32 @!p1 s14, s16;
	s16 =	simm.s32 @!p1 $0x40  }
0x26: {  	[tilespmem:s15], [sflag:$0x1] =	stream.strided.gather @!p1 [hbm4b:s14+s16], $0x2000, s17, s16, $0x38;
	[tilespmem:$0x8080] =	vst v63  }
0x27: {  	p1 =	sge.u32 s31, s5  }
.Ltmp2:
0x28: {  	_ = 	snop;
	(pc) =	sbr.rel @p1 .LBB1_5-.Ltmp2, $1  }
0x29: {  	_ =	sdelay $0x3  }
0x2a: {  	s14 =	simm.s32 $0x1  }
0x2b: {  	_ =	swait.ge [sflag:s4], $0x2000;
	s14 =	simm.s32 @!p0 $0x0  }
0x2c: {  	[sflag:s4] =	ssyncset.done $0x0;
	s15 =	sshll.u32 s14, $0xD  }
0x2d: {  	[sflag:s4] =	ssyncadd.s32 $0xFFFFE000;
	s18 =	sor.u32 $0x20, s15  }
0x2e: {  	s14 =	smul.u32 $0x8100, s14;
	v3 =	vld [tilespmem:s18+$0x10]  }
0x2f: {  	s30 =	sand.u32 $0x1, s11;
	v2 =	vld [tilespmem:s18+$0xFFFFFFF0]  }
0x30: {  	s15 =	smul.u32 $0x8100, s30;
	s14 =	sshrl.u32 s14, $0x2;
	v0 =	vld [tilespmem:s18+$0x0]  }
0x31: {  	v1 =	vld [tilespmem:s18+$0xFFFFFFE0];
	s16 =	sor.u32 $0x4000, s14  }
0x32: {  	s31 =	sshrl.u32 s15, $0x2;
	s15 =	sadd.s32 $0x0, s16  }
0x33: {  	s17 =	simm.s32 $0x4;
	s18 =	sadd.s32 $0x40, s18;
	s14 =	sor.u32 $0x4000, s31;
	[tilespmem:s15+$0x1830 ss:$0x81] =	vst.msk $0xffff, v3  }
.LBB1_3:
0x34: {  	v3 =	vld [tilespmem:s18+$0x10];
	p1 =	sne.s32 s17, $0x1FC;
	[tilespmem:s15+$0x810 ss:$0x81] =	vst.msk $0xffff, v2;
	s19 =	smov.u32 s17;
	s17 =	sadd.s32 $0x4, s17  }
.Ltmp3:
0x35: {  	v2 =	vld [tilespmem:s18+$0xFFFFFFF0];
	[tilespmem:s15+$0x1020 ss:$0x81] =	vst.msk $0xffff, v0;
	(pc) =	sbr.rel @p1 .LBB1_3-.Ltmp3, $4  }
0x36: {  	v0 =	vld [tilespmem:s18+$0x0];
	[tilespmem:s15+$0x0 ss:$0x81] =	vst.msk $0xffff, v1  }
0x37: {  	s15 =	sshra.s32 s19, $0x2;
	v1 =	vld [tilespmem:s18+$0xFFFFFFE0]  }
0x38: {  	s15 =	sadd.s32 s15, s16  }
0x39: {  	s18 =	sadd.s32 $0x40, s18;
	[tilespmem:s15+$0x1830 ss:$0x81] =	vst.msk $0xffff, v3  }
.Ltmp4:
0x3a: {  	_ = 	snop;
	(pc) =	sbr.rel .LBB1_4-.Ltmp4, $1  }
0x3b: {  	_ =	sdelay $0x3  }
.LBB1_6:
0x3c: {  	_ =	sfence.sel $0x180000  }
0x3d: {  	s2 =	simm.s32 $0x1;
	[bflag:$0x0] =	sbarrier.arrive $0xFFFF  }
0x3e: {  	s31 =	simm.s32 $0x2;
	[sflag:s2] =	ssyncpa.u1 $0x1  }
0x3f: {  	[sflag:s31] =	ssyncpa.u1 $0x1  }
0x40: {  	p0 =	sne.s32 s0, $0x0;
	_ =	strace $0x9000004A  }
0x41: {  	s0 =	sadd.s32 @!p0 $0x100000, s1;
	[bflag:$0x2] =	sbarrier.arrive $0xFFFF  }
0x42: {  	[sflag:s0] =	ssyncadd.tile.s32 @!p0 $0x1;
	_ =	shalt  }
.Lfunc_end1:
_tile_overlayer_lowered:
.L_overlay_start_2:
0x43: {  	(tag) =	ssettag $0x2  }
0x44: {  	s0 =	rddreg [dreg:$0x0];
	s2 =	stileid.u32  }
0x45: {  	s1 =	rddreg [dreg:$0x1];
	p0 =	sne.s32 s2, $0x0  }
0x46: {  	s3 =	rddreg [dreg:$0x2];
	[bflag:$0x3] =	sbarrier.arrive $0xFFFF;
	s2 =	simm.s32 @!p0 $0x1C01  }
0x47: {  	[timem:s3], [sflag:s2] =	dma.local @!p0 [hbm:s0], s1  }
0x48: {  	s0 =	simm.s32 @!p0 $0x1  }
0x49: {  	_ =	swait.ge @!p0 [sflag:s0], s1  }
0x4a: {  	s1 =	ssub.s32 @!p0 $0x0, s1;
	[sflag:s0] =	ssyncset.done @!p0 $0x0  }
0x4b: {  	[sflag:s0] =	ssyncadd.s32 @!p0 s1  }
0x4c: {  	[bflag:$0x3] =	sbarrier.arrive $0xFFFF  }
0x4d: {  	_ =	shalt  }

</sc_bundles>
